<compile_context>
chip_gen: v7x
topology: tpu7x:2x2x1
jax: 0.10.2.dev20260603
libtpu: 0.0.44.dev20260713+nightly
codegen_flags: <defaults>
</compile_context>

<pallas_src>
import functools

import jax
import jax.numpy as jnp
from jax import lax
from jax.experimental import pallas as pl
from jax.experimental.pallas import tpu as pltpu
from jax.experimental.pallas import tpu_sc as plsc

_NUM_ACTION = 125
_NUM_NOUN = 352
_DBINS = 5
_BS = 64
_C = 64 + _NUM_ACTION + _NUM_NOUN
_NCH = _C * _DBINS
_SPATIAL = 256
_CONF0 = 63 * _DBINS
_CLS0 = 64 * _DBINS
_NCLS = _NUM_ACTION + _NUM_NOUN
_NPAD = 480
_NW = 32
_BPW = _BS // _NW


_NCELL = _NCH - 256


def _sc_gather_body(pred_hbm, out_hbm, conf_v, cell0_v, cell1_v,
                    rows_v, red_f, red_i, semc, semc1, semg0, semg1):
    wid = lax.axis_index("c") * 16 + lax.axis_index("s")
    lanes = lax.iota(jnp.int32, 16)
    b0 = wid * _BPW
    row0 = b0 * _SPATIAL
    row1 = (b0 + 1) * _SPATIAL
    cc0 = pltpu.make_async_copy(
        pred_hbm.at[pl.ds(row0, _SPATIAL), pl.ds(256, 128)],
        conf_v.at[pl.ds(0, _SPATIAL), :], semc)
    cc1 = pltpu.make_async_copy(
        pred_hbm.at[pl.ds(row1, _SPATIAL), pl.ds(256, 128)],
        conf_v.at[pl.ds(_SPATIAL, _SPATIAL), :], semc1)
    cc0.start()
    cc1.start()

    def amax(i):
        base = i * _SPATIAL

        def one(c, bv, bf):
            s_vec = 16 * (c % 16) + lanes
            col = jnp.broadcast_to(59 + c // 16, (16,))
            v = plsc.load_gather(conf_v, [base + s_vec, col])
            sig = 1.0 / (1.0 + jnp.exp(-v))
            f = 5 * s_vec + (c // 16)
            better = (sig > bv) | ((sig == bv) & (f < bf))
            return jnp.where(better, sig, bv), jnp.where(better, f, bf)

        def amax_body(j, carry):
            out = []
            for u in range(4):
                bv, bf = carry[2 * u], carry[2 * u + 1]
                out.extend(one(j + 20 * u, bv, bf))
            return tuple(out)

        init = []
        for _ in range(4):
            init.extend((jnp.full((16,), -1.0, jnp.float32),
                         jnp.zeros((16,), jnp.int32)))
        acc = lax.fori_loop(0, 20, amax_body, tuple(init))
        bv, bf = acc[0], acc[1]
        for u in range(1, 4):
            ov, of = acc[2 * u], acc[2 * u + 1]
            better = (ov > bv) | ((ov == bv) & (of < bf))
            bv = jnp.where(better, ov, bv)
            bf = jnp.where(better, of, bf)

        for k in (1, 2, 4, 8):
            red_f[...] = bv
            red_i[...] = bf
            perm = lanes ^ k
            ov = plsc.load_gather(red_f, [perm])
            of = plsc.load_gather(red_i, [perm])
            better = (ov > bv) | ((ov == bv) & (of < bf))
            bv = jnp.where(better, ov, bv)
            bf = jnp.where(better, of, bf)
        fm = bf[0]
        return fm % _DBINS, fm // _DBINS

    cc0.wait()
    d0, s0 = amax(0)
    cp0 = pltpu.make_async_copy(
        pred_hbm.at[pl.ds(row0 + (s0 // 8) * 8, 8), pl.ds(256, _NCELL)],
        cell0_v, semg0)
    cp0.start()
    cc1.wait()
    d1, s1 = amax(1)
    cp1 = pltpu.make_async_copy(
        pred_hbm.at[pl.ds(row1 + (s1 // 8) * 8, 8), pl.ds(256, _NCELL)],
        cell1_v, semg1)
    cp1.start()

    for i, (cp, cell_v, d, s) in enumerate(
            ((cp0, cell0_v, d0, s0), (cp1, cell1_v, d1, s1))):
        cp.wait()
        srow = jnp.broadcast_to(s % 8, (16,))

        def sel_body(k, carry):
            idxc = (_CLS0 - 256) + d + 5 * (16 * k + lanes)
            idxc = jnp.minimum(idxc, _NCELL - 1)
            rows_v[pl.ds(k * 16, 16)] = plsc.load_gather(cell_v, [srow, idxc])
            return carry

        lax.fori_loop(0, _NPAD // 16, sel_body, 0)
        pltpu.sync_copy(rows_v, out_hbm.at[b0 + i])


@functools.cache
def _sc_gather():
    return pl.kernel(
        _sc_gather_body,
        out_type=jax.ShapeDtypeStruct((_BS, _NPAD), jnp.float32),
        mesh=plsc.VectorSubcoreMesh(
            core_axis_name="c", subcore_axis_name="s",
            num_cores=2, num_subcores=16),
        compiler_params=pltpu.CompilerParams(
            needs_layout_passes=False, use_tc_tiling_on_sc=True),
        scratch_types=[
            pltpu.VMEM((2 * _SPATIAL, 128), jnp.float32),
            pltpu.VMEM((8, _NCELL), jnp.float32),
            pltpu.VMEM((8, _NCELL), jnp.float32),
            pltpu.VMEM((_NPAD,), jnp.float32),
            pltpu.VMEM((16,), jnp.float32),
            pltpu.VMEM((16,), jnp.int32),
            pltpu.SemaphoreType.DMA,
            pltpu.SemaphoreType.DMA,
            pltpu.SemaphoreType.DMA,
            pltpu.SemaphoreType.DMA,
        ],
    )


def _ce_body(chosen_ref, ga_ref, gn_ref, out_ref):
    x = chosen_ref[...]
    lane = lax.broadcasted_iota(jnp.int32, (_BS, _NPAD), 1)
    mask_a = lane < _NUM_ACTION
    mask_n = (lane >= _NUM_ACTION) & (lane < _NCLS)
    neg = jnp.float32(-1e30)
    xa = jnp.where(mask_a, x, neg)
    xn = jnp.where(mask_n, x, neg)
    ma = jnp.max(xa, axis=1, keepdims=True)
    mn = jnp.max(xn, axis=1, keepdims=True)
    sa = jnp.sum(jnp.where(mask_a, jnp.exp(xa - ma), 0.0), axis=1, keepdims=True)
    sn = jnp.sum(jnp.where(mask_n, jnp.exp(xn - mn), 0.0), axis=1, keepdims=True)
    lse_a = ma + jnp.log(sa)
    lse_n = mn + jnp.log(sn)
    pa = jnp.sum(jnp.where(lane == ga_ref[...], x, 0.0), axis=1, keepdims=True)
    pn = jnp.sum(jnp.where(lane == gn_ref[...] + _NUM_ACTION, x, 0.0),
                 axis=1, keepdims=True)
    la = jnp.sum(lse_a - pa) * 0.5
    ln = jnp.sum(lse_n - pn) * 0.5
    out_ref[0] = la + ln
    out_ref[1] = la
    out_ref[2] = ln


_ce_call = pl.pallas_call(
    _ce_body,
    out_shape=jax.ShapeDtypeStruct((3,), jnp.float32),
    out_specs=pl.BlockSpec(memory_space=pltpu.MemorySpace.SMEM),
)


def kernel(pred, action_gt, noun_gt):
    pred_m = jnp.transpose(pred, (0, 2, 3, 1)).reshape(_BS * _SPATIAL, _NCH)
    chosen = _sc_gather()(pred_m)
    ga = action_gt.astype(jnp.int32).reshape(_BS, 1)
    gn = noun_gt.astype(jnp.int32).reshape(_BS, 1)
    out = _ce_call(chosen, ga, gn)
    return (out[0], out[1], out[2])

# --- scband reference (transcript-rebuilt; emitter-appended) ---
"""Pipeline reference for scband-ek-action-noun-loss-85074712199849 (READ-ONLY COPY).

The authoritative reference and input builder live on the scoring server;
editing this copy changes nothing except your own understanding.
"""

import jax, jax.numpy as jnp
import numpy as np

NUM_ACTION = 125
NUM_NOUN = 352
DBINS = 5


def setup_inputs(seed: int = 0):
    key = jax.random.key(seed)
    k1, k2, k3 = jax.random.split(key, 3)
    pred = jax.random.normal(k1, (64, (64 + NUM_ACTION + NUM_NOUN) * DBINS, 16, 16), dtype=jnp.float32)
    action_gt = jax.random.randint(k2, (64,), 0, NUM_ACTION)
    noun_gt = jax.random.randint(k3, (64,), 0, NUM_NOUN)
    return {"pred": pred, "action_gt": action_gt, "noun_gt": noun_gt}


def _ce_sum(logits, targets):
    logp = jax.nn.log_softmax(logits, axis=-1)
    picked = jnp.take_along_axis(logp, targets[:, None], axis=1)[:, 0]
    return -jnp.sum(picked)


def reference(pred, action_gt, noun_gt):
    bs = pred.shape[0]
    W = pred.shape[2]
    H = pred.shape[3]
    C = 64 + NUM_ACTION + NUM_NOUN
    p = pred.reshape(bs, C, DBINS, H, W)
    p = jnp.transpose(p, (0, 1, 3, 4, 2))  # (b, C, H, W, D)
    pred_conf = jax.nn.sigmoid(p[:, 63, :, :, :]).reshape(bs, -1)
    top_idx = jax.lax.top_k(pred_conf, 1)[1]  # (bs, 1)
    pred_action = p[:, 64:64 + NUM_ACTION, :, :, :].reshape(bs, NUM_ACTION, -1)
    pred_noun = p[:, 64 + NUM_ACTION:, :, :, :].reshape(bs, NUM_NOUN, -1)
    chosen_act = jnp.take_along_axis(pred_action, top_idx[:, None, :], axis=2)[:, :, 0]
    chosen_noun = jnp.take_along_axis(pred_noun, top_idx[:, None, :], axis=2)[:, :, 0]
    loss_action = _ce_sum(chosen_act, action_gt) / 2.0
    loss_noun = _ce_sum(chosen_noun, noun_gt) / 2.0
    total_loss = loss_action + loss_noun
    return (total_loss, loss_action, loss_noun)

if __name__ == "__main__":
    import jax
    _d = setup_inputs()
    print(jax.jit(kernel)(*tuple(_d.values())))

</pallas_src>

<mosaic_0001>
#map = affine_map<(d0, d1) -> (0, 0)>
module attributes {stable_mosaic.version = 14 : i64} {
  func.func @_sc_gather_body(%arg0: i32, %arg1: i32, %arg2: memref<16384x2705xf32, #tpu.memory_space<hbm>>, %arg3: memref<64x480xf32, #tpu.memory_space<hbm>>, %arg4: memref<512x128xf32, #tpu.memory_space<vmem>>, %arg5: memref<8x2449xf32, #tpu.memory_space<vmem>>, %arg6: memref<8x2449xf32, #tpu.memory_space<vmem>>, %arg7: memref<480xf32, #tpu.memory_space<vmem>>, %arg8: memref<16xf32, #tpu.memory_space<vmem>>, %arg9: memref<16xi32, #tpu.memory_space<vmem>>, %arg10: memref<!tpu.dma_semaphore, #tpu.memory_space<semaphore_mem>>, %arg11: memref<!tpu.dma_semaphore, #tpu.memory_space<semaphore_mem>>, %arg12: memref<!tpu.dma_semaphore, #tpu.memory_space<semaphore_mem>>, %arg13: memref<!tpu.dma_semaphore, #tpu.memory_space<semaphore_mem>>) attributes {dimension_semantics = [#tpu.dimension_semantics<core_parallel>, #tpu.dimension_semantics<subcore_parallel>], iteration_bounds = array<i64: 2, 16>, scalar_prefetch = 0 : i64, scratch_operands = 10 : i64, tpu.core_type = #tpu.core_type<sc_vector_subcore>, window_params = [{transform_indices = #map}, {transform_indices = #map}]} {
    %mul3A = arith.constant 16 : i32
    %mul3A_0 = arith.muli %arg0, %mul3A : i32
    %add3A = arith.addi %mul3A_0, %arg1 : i32
    %iota3A = tpu.iota {dimensions = array<i32: 0>} : vector<16xi32>
    %mul3A_1 = arith.constant 2 : i32
    %mul3A_2 = arith.muli %add3A, %mul3A_1 : i32
    %mul3A_3 = arith.constant 256 : i32
    %mul3A_4 = arith.muli %mul3A_2, %mul3A_3 : i32
    %add3A_5 = arith.constant 1 : i32
    %add3A_6 = arith.addi %mul3A_2, %add3A_5 : i32
    %mul3A_7 = arith.constant 256 : i32
    %mul3A_8 = arith.muli %add3A_6, %mul3A_7 : i32
    %dma_start3A = arith.constant 0 : i32
    %dma_start3A_9 = arith.constant 0 : i32
    %dma_start3A_10 = tpu.memref_slice %arg4[%dma_start3A, %dma_start3A_9] : memref<512x128xf32, #tpu.memory_space<vmem>> -> memref<256x128xf32, #tpu.memory_space<vmem>>
    %dma_start3A_11 = arith.constant 256 : i32
    %dma_start3A_12 = tpu.memref_slice %arg2[%mul3A_4, %dma_start3A_11] : memref<16384x2705xf32, #tpu.memory_space<hbm>> -> memref<256x128xf32, #tpu.memory_space<hbm>>
    %dma_start3A_13 = arith.constant 0 : i32
    %dma_start3A_14 = arith.constant 0 : i32
    %dma_start3A_15 = tpu.memref_slice %arg4[%dma_start3A_13, %dma_start3A_14] : memref<512x128xf32, #tpu.memory_space<vmem>> -> memref<256x128xf32, #tpu.memory_space<vmem>>
    %dma_start3A_16 = arith.constant 256 : i32
    %dma_start3A_17 = tpu.memref_slice %arg2[%mul3A_4, %dma_start3A_16] : memref<16384x2705xf32, #tpu.memory_space<hbm>> -> memref<256x128xf32, #tpu.memory_space<hbm>>
    tpu.enqueue_dma source(%dma_start3A_17 : memref<256x128xf32, #tpu.memory_space<hbm>>) target(%dma_start3A_15 : memref<256x128xf32, #tpu.memory_space<vmem>>) target_semaphore(%arg10 : memref<!tpu.dma_semaphore, #tpu.memory_space<semaphore_mem>>)
    %dma_start3A_18 = arith.constant 256 : i32
    %dma_start3A_19 = arith.constant 0 : i32
    %dma_start3A_20 = tpu.memref_slice %arg4[%dma_start3A_18, %dma_start3A_19] : memref<512x128xf32, #tpu.memory_space<vmem>> -> memref<256x128xf32, #tpu.memory_space<vmem>>
    %dma_start3A_21 = arith.constant 256 : i32
    %dma_start3A_22 = tpu.memref_slice %arg2[%mul3A_8, %dma_start3A_21] : memref<16384x2705xf32, #tpu.memory_space<hbm>> -> memref<256x128xf32, #tpu.memory_space<hbm>>
    %dma_start3A_23 = arith.constant 256 : i32
    %dma_start3A_24 = arith.constant 0 : i32
    %dma_start3A_25 = tpu.memref_slice %arg4[%dma_start3A_23, %dma_start3A_24] : memref<512x128xf32, #tpu.memory_space<vmem>> -> memref<256x128xf32, #tpu.memory_space<vmem>>
    %dma_start3A_26 = arith.constant 256 : i32
    %dma_start3A_27 = tpu.memref_slice %arg2[%mul3A_8, %dma_start3A_26] : memref<16384x2705xf32, #tpu.memory_space<hbm>> -> memref<256x128xf32, #tpu.memory_space<hbm>>
    tpu.enqueue_dma source(%dma_start3A_27 : memref<256x128xf32, #tpu.memory_space<hbm>>) target(%dma_start3A_25 : memref<256x128xf32, #tpu.memory_space<vmem>>) target_semaphore(%arg11 : memref<!tpu.dma_semaphore, #tpu.memory_space<semaphore_mem>>)
    %dma_wait3A = arith.constant 0 : i32
    %dma_wait3A_28 = arith.constant 0 : i32
    %dma_wait3A_29 = tpu.memref_slice %arg4[%dma_wait3A, %dma_wait3A_28] : memref<512x128xf32, #tpu.memory_space<vmem>> -> memref<256x128xf32, #tpu.memory_space<vmem>>
    %dma_wait3A_30 = arith.constant 256 : i32
    %dma_wait3A_31 = tpu.memref_slice %arg2[%mul3A_4, %dma_wait3A_30] : memref<16384x2705xf32, #tpu.memory_space<hbm>> -> memref<256x128xf32, #tpu.memory_space<hbm>>
    %dma_wait3A_32 = arith.constant 0 : i32
    %dma_wait3A_33 = arith.constant 0 : i32
    %dma_wait3A_34 = tpu.memref_slice %arg4[%dma_wait3A_32, %dma_wait3A_33] : memref<512x128xf32, #tpu.memory_space<vmem>> -> memref<256x128xf32, #tpu.memory_space<vmem>>
    %dma_wait3A_35 = arith.constant 256 : i32
    %dma_wait3A_36 = tpu.memref_slice %arg2[%mul3A_4, %dma_wait3A_35] : memref<16384x2705xf32, #tpu.memory_space<hbm>> -> memref<256x128xf32, #tpu.memory_space<hbm>>
    tpu.wait_dma2 semaphore(%arg10 : memref<!tpu.dma_semaphore, #tpu.memory_space<semaphore_mem>>) src(%dma_wait3A_36 : memref<256x128xf32, #tpu.memory_space<hbm>>) dst(%dma_wait3A_34 : memref<256x128xf32, #tpu.memory_space<vmem>>)
    %broadcast_in_dim3A = arith.constant -1.000000e+00 : f32
    %broadcast_in_dim3A_37 = vector.broadcast %broadcast_in_dim3A : f32 to vector<16xf32>
    %broadcast_in_dim3A_38 = arith.constant 0 : i32
    %broadcast_in_dim3A_39 = vector.broadcast %broadcast_in_dim3A_38 : i32 to vector<16xi32>
    %broadcast_in_dim3A_40 = arith.constant -1.000000e+00 : f32
    %broadcast_in_dim3A_41 = vector.broadcast %broadcast_in_dim3A_40 : f32 to vector<16xf32>
    %broadcast_in_dim3A_42 = arith.constant 0 : i32
    %broadcast_in_dim3A_43 = vector.broadcast %broadcast_in_dim3A_42 : i32 to vector<16xi32>
    %broadcast_in_dim3A_44 = arith.constant -1.000000e+00 : f32
    %broadcast_in_dim3A_45 = vector.broadcast %broadcast_in_dim3A_44 : f32 to vector<16xf32>
    %broadcast_in_dim3A_46 = arith.constant 0 : i32
    %broadcast_in_dim3A_47 = vector.broadcast %broadcast_in_dim3A_46 : i32 to vector<16xi32>
    %broadcast_in_dim3A_48 = arith.constant -1.000000e+00 : f32
    %broadcast_in_dim3A_49 = vector.broadcast %broadcast_in_dim3A_48 : f32 to vector<16xf32>
    %broadcast_in_dim3A_50 = arith.constant 0 : i32
    %broadcast_in_dim3A_51 = vector.broadcast %broadcast_in_dim3A_50 : i32 to vector<16xi32>
    %scan3A = arith.constant 0 : i32
    %scan3A_52 = arith.constant 20 : i32
    %scan3A_53 = arith.addi %scan3A, %scan3A_52 : i32
    %scan3A_54 = arith.constant 1 : i32
    %scan3A_55:8 = scf.for %scan3A_446 = %scan3A to %scan3A_53 step %scan3A_54 iter_args(%scan3A_447 = %broadcast_in_dim3A_37, %scan3A_448 = %broadcast_in_dim3A_39, %scan3A_449 = %broadcast_in_dim3A_41, %scan3A_450 = %broadcast_in_dim3A_43, %scan3A_451 = %broadcast_in_dim3A_45, %scan3A_452 = %broadcast_in_dim3A_47, %scan3A_453 = %broadcast_in_dim3A_49, %scan3A_454 = %broadcast_in_dim3A_51) -> (vector<16xf32>, vector<16xi32>, vector<16xf32>, vector<16xi32>, vector<16xf32>, vector<16xi32>, vector<16xf32>, vector<16xi32>)  : i32 {
      %add3A_455 = arith.constant 0 : i32
      %add3A_456 = arith.addi %scan3A_446, %add3A_455 : i32
      %jit3A_457 = arith.constant 16 : i32
      %eq3A_458 = arith.constant 0 : i32
      %eq3A_459 = arith.cmpi eq, %jit3A_457, %eq3A_458 : i32
      %jit3A_460 = arith.constant 1 : i32
      %select_n3A_461 = arith.select %eq3A_459, %jit3A_460, %jit3A_457 : i32
      %rem3A_462 = arith.remsi %add3A_456, %select_n3A_461 : i32
      %ne3A_463 = arith.constant 0 : i32
      %ne3A_464 = arith.cmpi ne, %rem3A_462, %ne3A_463 : i32
      %lt3A_465 = arith.constant 0 : i32
      %lt3A_466 = arith.cmpi slt, %rem3A_462, %lt3A_465 : i32
      %lt3A_467 = arith.constant 0 : i32
      %lt3A_468 = arith.cmpi slt, %select_n3A_461, %lt3A_467 : i32
      %ne3A_469 = arith.xori %lt3A_466, %lt3A_468 : i1
      %and3A_470 = arith.andi %ne3A_469, %ne3A_464 : i1
      %add3A_471 = arith.addi %rem3A_462, %select_n3A_461 : i32
      %select_n3A_472 = arith.select %and3A_470, %add3A_471, %rem3A_462 : i32
      %mul3A_473 = arith.constant 16 : i32
      %mul3A_474 = arith.muli %mul3A_473, %select_n3A_472 : i32
      %add3A_475 = vector.broadcast %mul3A_474 : i32 to vector<16xi32>
      %add3A_476 = arith.addi %add3A_475, %iota3A : vector<16xi32>
      %jit3A_477 = arith.constant 16 : i32
      %div3A_478 = arith.divsi %add3A_456, %jit3A_477 : i32
      %sign3A_479 = arith.constant 0 : i32
      %sign3A_480 = arith.cmpi sgt, %add3A_456, %sign3A_479 : i32
      %sign3A_481 = arith.extui %sign3A_480 : i1 to i32
      %sign3A_482 = arith.constant 0 : i32
      %sign3A_483 = arith.cmpi slt, %add3A_456, %sign3A_482 : i32
      %sign3A_484 = arith.extui %sign3A_483 : i1 to i32
      %sign3A_485 = arith.subi %sign3A_481, %sign3A_484 : i32
      %sign3A_486 = arith.constant 0 : i32
      %sign3A_487 = arith.cmpi sgt, %jit3A_477, %sign3A_486 : i32
      %sign3A_488 = arith.extui %sign3A_487 : i1 to i32
      %sign3A_489 = arith.constant 0 : i32
      %sign3A_490 = arith.cmpi slt, %jit3A_477, %sign3A_489 : i32
      %sign3A_491 = arith.extui %sign3A_490 : i1 to i32
      %sign3A_492 = arith.subi %sign3A_488, %sign3A_491 : i32
      %ne3A_493 = arith.cmpi ne, %sign3A_485, %sign3A_492 : i32
      %rem3A_494 = arith.remsi %add3A_456, %jit3A_477 : i32
      %ne3A_495 = arith.constant 0 : i32
      %ne3A_496 = arith.cmpi ne, %rem3A_494, %ne3A_495 : i32
      %and3A_497 = arith.andi %ne3A_493, %ne3A_496 : i1
      %sub3A_498 = arith.constant 1 : i32
      %sub3A_499 = arith.subi %div3A_478, %sub3A_498 : i32
      %select_n3A_500 = arith.select %and3A_497, %sub3A_499, %div3A_478 : i32
      %add3A_501 = arith.constant 59 : i32
      %add3A_502 = arith.addi %add3A_501, %select_n3A_500 : i32
      %broadcast_in_dim3A_503 = vector.broadcast %add3A_502 : i32 to vector<16xi32>
      %add3A_504 = arith.constant 0 : i32
      %add3A_505 = vector.broadcast %add3A_504 : i32 to vector<16xi32>
      %add3A_506 = arith.addi %add3A_505, %add3A_476 : vector<16xi32>
      %gather3A_507 = tpu.vector_load_idx %arg4[%add3A_506, %broadcast_in_dim3A_503] : memref<512x128xf32, #tpu.memory_space<vmem>>[vector<16xi32>, vector<16xi32>], vector<16xf32>,
      %neg3A = arith.constant 0.000000e+00 : f32
      %neg3A_508 = vector.broadcast %neg3A : f32 to vector<16xf32>
      %neg3A_509 = arith.subf %neg3A_508, %gather3A_507 : vector<16xf32>
      %exp3A = math.exp %neg3A_509 : vector<16xf32>
      %add3A_510 = arith.constant 1.000000e+00 : f32
      %add3A_511 = vector.broadcast %add3A_510 : f32 to vector<16xf32>
      %add3A_512 = arith.addf %add3A_511, %exp3A : vector<16xf32>
      %div3A_513 = arith.constant 1.000000e+00 : f32
      %div3A_514 = vector.broadcast %div3A_513 : f32 to vector<16xf32>
      %div3A_515 = arith.divf %div3A_514, %add3A_512 : vector<16xf32>
      %mul3A_516 = arith.constant 5 : i32
      %mul3A_517 = vector.broadcast %mul3A_516 : i32 to vector<16xi32>
      %mul3A_518 = arith.muli %mul3A_517, %add3A_476 : vector<16xi32>
      %jit3A_519 = arith.constant 16 : i32
      %div3A_520 = arith.divsi %add3A_456, %jit3A_519 : i32
      %sign3A_521 = arith.constant 0 : i32
      %sign3A_522 = arith.cmpi sgt, %add3A_456, %sign3A_521 : i32
      %sign3A_523 = arith.extui %sign3A_522 : i1 to i32
      %sign3A_524 = arith.constant 0 : i32
      %sign3A_525 = arith.cmpi slt, %add3A_456, %sign3A_524 : i32
      %sign3A_526 = arith.extui %sign3A_525 : i1 to i32
      %sign3A_527 = arith.subi %sign3A_523, %sign3A_526 : i32
      %sign3A_528 = arith.constant 0 : i32
      %sign3A_529 = arith.cmpi sgt, %jit3A_519, %sign3A_528 : i32
      %sign3A_530 = arith.extui %sign3A_529 : i1 to i32
      %sign3A_531 = arith.constant 0 : i32
      %sign3A_532 = arith.cmpi slt, %jit3A_519, %sign3A_531 : i32
      %sign3A_533 = arith.extui %sign3A_532 : i1 to i32
      %sign3A_534 = arith.subi %sign3A_530, %sign3A_533 : i32
      %ne3A_535 = arith.cmpi ne, %sign3A_527, %sign3A_534 : i32
      %rem3A_536 = arith.remsi %add3A_456, %jit3A_519 : i32
      %ne3A_537 = arith.constant 0 : i32
      %ne3A_538 = arith.cmpi ne, %rem3A_536, %ne3A_537 : i32
      %and3A_539 = arith.andi %ne3A_535, %ne3A_538 : i1
      %sub3A_540 = arith.constant 1 : i32
      %sub3A_541 = arith.subi %div3A_520, %sub3A_540 : i32
      %select_n3A_542 = arith.select %and3A_539, %sub3A_541, %div3A_520 : i32
      %add3A_543 = vector.broadcast %select_n3A_542 : i32 to vector<16xi32>
      %add3A_544 = arith.addi %mul3A_518, %add3A_543 : vector<16xi32>
      %gt3A_545 = arith.cmpf ogt, %div3A_515, %scan3A_447 : vector<16xf32>
      %eq3A_546 = arith.cmpf oeq, %div3A_515, %scan3A_447 : vector<16xf32>
      %lt3A_547 = arith.cmpi slt, %add3A_544, %scan3A_448 : vector<16xi32>
      %and3A_548 = arith.andi %eq3A_546, %lt3A_547 : vector<16xi1>
      %or3A_549 = arith.ori %gt3A_545, %and3A_548 : vector<16xi1>
      %select_n3A_550 = arith.select %or3A_549, %div3A_515, %scan3A_447 : vector<16xi1>, vector<16xf32>
      %select_n3A_551 = arith.select %or3A_549, %add3A_544, %scan3A_448 : vector<16xi1>, vector<16xi32>
      %add3A_552 = arith.constant 20 : i32
      %add3A_553 = arith.addi %scan3A_446, %add3A_552 : i32
      %jit3A_554 = arith.constant 16 : i32
      %eq3A_555 = arith.constant 0 : i32
      %eq3A_556 = arith.cmpi eq, %jit3A_554, %eq3A_555 : i32
      %jit3A_557 = arith.constant 1 : i32
      %select_n3A_558 = arith.select %eq3A_556, %jit3A_557, %jit3A_554 : i32
      %rem3A_559 = arith.remsi %add3A_553, %select_n3A_558 : i32
      %ne3A_560 = arith.constant 0 : i32
      %ne3A_561 = arith.cmpi ne, %rem3A_559, %ne3A_560 : i32
      %lt3A_562 = arith.constant 0 : i32
      %lt3A_563 = arith.cmpi slt, %rem3A_559, %lt3A_562 : i32
      %lt3A_564 = arith.constant 0 : i32
      %lt3A_565 = arith.cmpi slt, %select_n3A_558, %lt3A_564 : i32
      %ne3A_566 = arith.xori %lt3A_563, %lt3A_565 : i1
      %and3A_567 = arith.andi %ne3A_566, %ne3A_561 : i1
      %add3A_568 = arith.addi %rem3A_559, %select_n3A_558 : i32
      %select_n3A_569 = arith.select %and3A_567, %add3A_568, %rem3A_559 : i32
      %mul3A_570 = arith.constant 16 : i32
      %mul3A_571 = arith.muli %mul3A_570, %select_n3A_569 : i32
      %add3A_572 = vector.broadcast %mul3A_571 : i32 to vector<16xi32>
      %add3A_573 = arith.addi %add3A_572, %iota3A : vector<16xi32>
      %jit3A_574 = arith.constant 16 : i32
      %div3A_575 = arith.divsi %add3A_553, %jit3A_574 : i32
      %sign3A_576 = arith.constant 0 : i32
      %sign3A_577 = arith.cmpi sgt, %add3A_553, %sign3A_576 : i32
      %sign3A_578 = arith.extui %sign3A_577 : i1 to i32
      %sign3A_579 = arith.constant 0 : i32
      %sign3A_580 = arith.cmpi slt, %add3A_553, %sign3A_579 : i32
      %sign3A_581 = arith.extui %sign3A_580 : i1 to i32
      %sign3A_582 = arith.subi %sign3A_578, %sign3A_581 : i32
      %sign3A_583 = arith.constant 0 : i32
      %sign3A_584 = arith.cmpi sgt, %jit3A_574, %sign3A_583 : i32
      %sign3A_585 = arith.extui %sign3A_584 : i1 to i32
      %sign3A_586 = arith.constant 0 : i32
      %sign3A_587 = arith.cmpi slt, %jit3A_574, %sign3A_586 : i32
      %sign3A_588 = arith.extui %sign3A_587 : i1 to i32
      %sign3A_589 = arith.subi %sign3A_585, %sign3A_588 : i32
      %ne3A_590 = arith.cmpi ne, %sign3A_582, %sign3A_589 : i32
      %rem3A_591 = arith.remsi %add3A_553, %jit3A_574 : i32
      %ne3A_592 = arith.constant 0 : i32
      %ne3A_593 = arith.cmpi ne, %rem3A_591, %ne3A_592 : i32
      %and3A_594 = arith.andi %ne3A_590, %ne3A_593 : i1
      %sub3A_595 = arith.constant 1 : i32
      %sub3A_596 = arith.subi %div3A_575, %sub3A_595 : i32
      %select_n3A_597 = arith.select %and3A_594, %sub3A_596, %div3A_575 : i32
      %add3A_598 = arith.constant 59 : i32
      %add3A_599 = arith.addi %add3A_598, %select_n3A_597 : i32
      %broadcast_in_dim3A_600 = vector.broadcast %add3A_599 : i32 to vector<16xi32>
      %add3A_601 = arith.constant 0 : i32
      %add3A_602 = vector.broadcast %add3A_601 : i32 to vector<16xi32>
      %add3A_603 = arith.addi %add3A_602, %add3A_573 : vector<16xi32>
      %gather3A_604 = tpu.vector_load_idx %arg4[%add3A_603, %broadcast_in_dim3A_600] : memref<512x128xf32, #tpu.memory_space<vmem>>[vector<16xi32>, vector<16xi32>], vector<16xf32>,
      %neg3A_605 = arith.constant 0.000000e+00 : f32
      %neg3A_606 = vector.broadcast %neg3A_605 : f32 to vector<16xf32>
      %neg3A_607 = arith.subf %neg3A_606, %gather3A_604 : vector<16xf32>
      %exp3A_608 = math.exp %neg3A_607 : vector<16xf32>
      %add3A_609 = arith.constant 1.000000e+00 : f32
      %add3A_610 = vector.broadcast %add3A_609 : f32 to vector<16xf32>
      %add3A_611 = arith.addf %add3A_610, %exp3A_608 : vector<16xf32>
      %div3A_612 = arith.constant 1.000000e+00 : f32
      %div3A_613 = vector.broadcast %div3A_612 : f32 to vector<16xf32>
      %div3A_614 = arith.divf %div3A_613, %add3A_611 : vector<16xf32>
      %mul3A_615 = arith.constant 5 : i32
      %mul3A_616 = vector.broadcast %mul3A_615 : i32 to vector<16xi32>
      %mul3A_617 = arith.muli %mul3A_616, %add3A_573 : vector<16xi32>
      %jit3A_618 = arith.constant 16 : i32
      %div3A_619 = arith.divsi %add3A_553, %jit3A_618 : i32
      %sign3A_620 = arith.constant 0 : i32
      %sign3A_621 = arith.cmpi sgt, %add3A_553, %sign3A_620 : i32
      %sign3A_622 = arith.extui %sign3A_621 : i1 to i32
      %sign3A_623 = arith.constant 0 : i32
      %sign3A_624 = arith.cmpi slt, %add3A_553, %sign3A_623 : i32
      %sign3A_625 = arith.extui %sign3A_624 : i1 to i32
      %sign3A_626 = arith.subi %sign3A_622, %sign3A_625 : i32
      %sign3A_627 = arith.constant 0 : i32
      %sign3A_628 = arith.cmpi sgt, %jit3A_618, %sign3A_627 : i32
      %sign3A_629 = arith.extui %sign3A_628 : i1 to i32
      %sign3A_630 = arith.constant 0 : i32
      %sign3A_631 = arith.cmpi slt, %jit3A_618, %sign3A_630 : i32
      %sign3A_632 = arith.extui %sign3A_631 : i1 to i32
      %sign3A_633 = arith.subi %sign3A_629, %sign3A_632 : i32
      %ne3A_634 = arith.cmpi ne, %sign3A_626, %sign3A_633 : i32
      %rem3A_635 = arith.remsi %add3A_553, %jit3A_618 : i32
      %ne3A_636 = arith.constant 0 : i32
      %ne3A_637 = arith.cmpi ne, %rem3A_635, %ne3A_636 : i32
      %and3A_638 = arith.andi %ne3A_634, %ne3A_637 : i1
      %sub3A_639 = arith.constant 1 : i32
      %sub3A_640 = arith.subi %div3A_619, %sub3A_639 : i32
      %select_n3A_641 = arith.select %and3A_638, %sub3A_640, %div3A_619 : i32
      %add3A_642 = vector.broadcast %select_n3A_641 : i32 to vector<16xi32>
      %add3A_643 = arith.addi %mul3A_617, %add3A_642 : vector<16xi32>
      %gt3A_644 = arith.cmpf ogt, %div3A_614, %scan3A_449 : vector<16xf32>
      %eq3A_645 = arith.cmpf oeq, %div3A_614, %scan3A_449 : vector<16xf32>
      %lt3A_646 = arith.cmpi slt, %add3A_643, %scan3A_450 : vector<16xi32>
      %and3A_647 = arith.andi %eq3A_645, %lt3A_646 : vector<16xi1>
      %or3A_648 = arith.ori %gt3A_644, %and3A_647 : vector<16xi1>
      %select_n3A_649 = arith.select %or3A_648, %div3A_614, %scan3A_449 : vector<16xi1>, vector<16xf32>
      %select_n3A_650 = arith.select %or3A_648, %add3A_643, %scan3A_450 : vector<16xi1>, vector<16xi32>
      %add3A_651 = arith.constant 40 : i32
      %add3A_652 = arith.addi %scan3A_446, %add3A_651 : i32
      %jit3A_653 = arith.constant 16 : i32
      %eq3A_654 = arith.constant 0 : i32
      %eq3A_655 = arith.cmpi eq, %jit3A_653, %eq3A_654 : i32
      %jit3A_656 = arith.constant 1 : i32
      %select_n3A_657 = arith.select %eq3A_655, %jit3A_656, %jit3A_653 : i32
      %rem3A_658 = arith.remsi %add3A_652, %select_n3A_657 : i32
      %ne3A_659 = arith.constant 0 : i32
      %ne3A_660 = arith.cmpi ne, %rem3A_658, %ne3A_659 : i32
      %lt3A_661 = arith.constant 0 : i32
      %lt3A_662 = arith.cmpi slt, %rem3A_658, %lt3A_661 : i32
      %lt3A_663 = arith.constant 0 : i32
      %lt3A_664 = arith.cmpi slt, %select_n3A_657, %lt3A_663 : i32
      %ne3A_665 = arith.xori %lt3A_662, %lt3A_664 : i1
      %and3A_666 = arith.andi %ne3A_665, %ne3A_660 : i1
      %add3A_667 = arith.addi %rem3A_658, %select_n3A_657 : i32
      %select_n3A_668 = arith.select %and3A_666, %add3A_667, %rem3A_658 : i32
      %mul3A_669 = arith.constant 16 : i32
      %mul3A_670 = arith.muli %mul3A_669, %select_n3A_668 : i32
      %add3A_671 = vector.broadcast %mul3A_670 : i32 to vector<16xi32>
      %add3A_672 = arith.addi %add3A_671, %iota3A : vector<16xi32>
      %jit3A_673 = arith.constant 16 : i32
      %div3A_674 = arith.divsi %add3A_652, %jit3A_673 : i32
      %sign3A_675 = arith.constant 0 : i32
      %sign3A_676 = arith.cmpi sgt, %add3A_652, %sign3A_675 : i32
      %sign3A_677 = arith.extui %sign3A_676 : i1 to i32
      %sign3A_678 = arith.constant 0 : i32
      %sign3A_679 = arith.cmpi slt, %add3A_652, %sign3A_678 : i32
      %sign3A_680 = arith.extui %sign3A_679 : i1 to i32
      %sign3A_681 = arith.subi %sign3A_677, %sign3A_680 : i32
      %sign3A_682 = arith.constant 0 : i32
      %sign3A_683 = arith.cmpi sgt, %jit3A_673, %sign3A_682 : i32
      %sign3A_684 = arith.extui %sign3A_683 : i1 to i32
      %sign3A_685 = arith.constant 0 : i32
      %sign3A_686 = arith.cmpi slt, %jit3A_673, %sign3A_685 : i32
      %sign3A_687 = arith.extui %sign3A_686 : i1 to i32
      %sign3A_688 = arith.subi %sign3A_684, %sign3A_687 : i32
      %ne3A_689 = arith.cmpi ne, %sign3A_681, %sign3A_688 : i32
      %rem3A_690 = arith.remsi %add3A_652, %jit3A_673 : i32
      %ne3A_691 = arith.constant 0 : i32
      %ne3A_692 = arith.cmpi ne, %rem3A_690, %ne3A_691 : i32
      %and3A_693 = arith.andi %ne3A_689, %ne3A_692 : i1
      %sub3A_694 = arith.constant 1 : i32
      %sub3A_695 = arith.subi %div3A_674, %sub3A_694 : i32
      %select_n3A_696 = arith.select %and3A_693, %sub3A_695, %div3A_674 : i32
      %add3A_697 = arith.constant 59 : i32
      %add3A_698 = arith.addi %add3A_697, %select_n3A_696 : i32
      %broadcast_in_dim3A_699 = vector.broadcast %add3A_698 : i32 to vector<16xi32>
      %add3A_700 = arith.constant 0 : i32
      %add3A_701 = vector.broadcast %add3A_700 : i32 to vector<16xi32>
      %add3A_702 = arith.addi %add3A_701, %add3A_672 : vector<16xi32>
      %gather3A_703 = tpu.vector_load_idx %arg4[%add3A_702, %broadcast_in_dim3A_699] : memref<512x128xf32, #tpu.memory_space<vmem>>[vector<16xi32>, vector<16xi32>], vector<16xf32>,
      %neg3A_704 = arith.constant 0.000000e+00 : f32
      %neg3A_705 = vector.broadcast %neg3A_704 : f32 to vector<16xf32>
      %neg3A_706 = arith.subf %neg3A_705, %gather3A_703 : vector<16xf32>
      %exp3A_707 = math.exp %neg3A_706 : vector<16xf32>
      %add3A_708 = arith.constant 1.000000e+00 : f32
      %add3A_709 = vector.broadcast %add3A_708 : f32 to vector<16xf32>
      %add3A_710 = arith.addf %add3A_709, %exp3A_707 : vector<16xf32>
      %div3A_711 = arith.constant 1.000000e+00 : f32
      %div3A_712 = vector.broadcast %div3A_711 : f32 to vector<16xf32>
      %div3A_713 = arith.divf %div3A_712, %add3A_710 : vector<16xf32>
      %mul3A_714 = arith.constant 5 : i32
      %mul3A_715 = vector.broadcast %mul3A_714 : i32 to vector<16xi32>
      %mul3A_716 = arith.muli %mul3A_715, %add3A_672 : vector<16xi32>
      %jit3A_717 = arith.constant 16 : i32
      %div3A_718 = arith.divsi %add3A_652, %jit3A_717 : i32
      %sign3A_719 = arith.constant 0 : i32
      %sign3A_720 = arith.cmpi sgt, %add3A_652, %sign3A_719 : i32
      %sign3A_721 = arith.extui %sign3A_720 : i1 to i32
      %sign3A_722 = arith.constant 0 : i32
      %sign3A_723 = arith.cmpi slt, %add3A_652, %sign3A_722 : i32
      %sign3A_724 = arith.extui %sign3A_723 : i1 to i32
      %sign3A_725 = arith.subi %sign3A_721, %sign3A_724 : i32
      %sign3A_726 = arith.constant 0 : i32
      %sign3A_727 = arith.cmpi sgt, %jit3A_717, %sign3A_726 : i32
      %sign3A_728 = arith.extui %sign3A_727 : i1 to i32
      %sign3A_729 = arith.constant 0 : i32
      %sign3A_730 = arith.cmpi slt, %jit3A_717, %sign3A_729 : i32
      %sign3A_731 = arith.extui %sign3A_730 : i1 to i32
      %sign3A_732 = arith.subi %sign3A_728, %sign3A_731 : i32
      %ne3A_733 = arith.cmpi ne, %sign3A_725, %sign3A_732 : i32
      %rem3A_734 = arith.remsi %add3A_652, %jit3A_717 : i32
      %ne3A_735 = arith.constant 0 : i32
      %ne3A_736 = arith.cmpi ne, %rem3A_734, %ne3A_735 : i32
      %and3A_737 = arith.andi %ne3A_733, %ne3A_736 : i1
      %sub3A_738 = arith.constant 1 : i32
      %sub3A_739 = arith.subi %div3A_718, %sub3A_738 : i32
      %select_n3A_740 = arith.select %and3A_737, %sub3A_739, %div3A_718 : i32
      %add3A_741 = vector.broadcast %select_n3A_740 : i32 to vector<16xi32>
      %add3A_742 = arith.addi %mul3A_716, %add3A_741 : vector<16xi32>
      %gt3A_743 = arith.cmpf ogt, %div3A_713, %scan3A_451 : vector<16xf32>
      %eq3A_744 = arith.cmpf oeq, %div3A_713, %scan3A_451 : vector<16xf32>
      %lt3A_745 = arith.cmpi slt, %add3A_742, %scan3A_452 : vector<16xi32>
      %and3A_746 = arith.andi %eq3A_744, %lt3A_745 : vector<16xi1>
      %or3A_747 = arith.ori %gt3A_743, %and3A_746 : vector<16xi1>
      %select_n3A_748 = arith.select %or3A_747, %div3A_713, %scan3A_451 : vector<16xi1>, vector<16xf32>
      %select_n3A_749 = arith.select %or3A_747, %add3A_742, %scan3A_452 : vector<16xi1>, vector<16xi32>
      %add3A_750 = arith.constant 60 : i32
      %add3A_751 = arith.addi %scan3A_446, %add3A_750 : i32
      %jit3A_752 = arith.constant 16 : i32
      %eq3A_753 = arith.constant 0 : i32
      %eq3A_754 = arith.cmpi eq, %jit3A_752, %eq3A_753 : i32
      %jit3A_755 = arith.constant 1 : i32
      %select_n3A_756 = arith.select %eq3A_754, %jit3A_755, %jit3A_752 : i32
      %rem3A_757 = arith.remsi %add3A_751, %select_n3A_756 : i32
      %ne3A_758 = arith.constant 0 : i32
      %ne3A_759 = arith.cmpi ne, %rem3A_757, %ne3A_758 : i32
      %lt3A_760 = arith.constant 0 : i32
      %lt3A_761 = arith.cmpi slt, %rem3A_757, %lt3A_760 : i32
      %lt3A_762 = arith.constant 0 : i32
      %lt3A_763 = arith.cmpi slt, %select_n3A_756, %lt3A_762 : i32
      %ne3A_764 = arith.xori %lt3A_761, %lt3A_763 : i1
      %and3A_765 = arith.andi %ne3A_764, %ne3A_759 : i1
      %add3A_766 = arith.addi %rem3A_757, %select_n3A_756 : i32
      %select_n3A_767 = arith.select %and3A_765, %add3A_766, %rem3A_757 : i32
      %mul3A_768 = arith.constant 16 : i32
      %mul3A_769 = arith.muli %mul3A_768, %select_n3A_767 : i32
      %add3A_770 = vector.broadcast %mul3A_769 : i32 to vector<16xi32>
      %add3A_771 = arith.addi %add3A_770, %iota3A : vector<16xi32>
      %jit3A_772 = arith.constant 16 : i32
      %div3A_773 = arith.divsi %add3A_751, %jit3A_772 : i32
      %sign3A_774 = arith.constant 0 : i32
      %sign3A_775 = arith.cmpi sgt, %add3A_751, %sign3A_774 : i32
      %sign3A_776 = arith.extui %sign3A_775 : i1 to i32
      %sign3A_777 = arith.constant 0 : i32
      %sign3A_778 = arith.cmpi slt, %add3A_751, %sign3A_777 : i32
      %sign3A_779 = arith.extui %sign3A_778 : i1 to i32
      %sign3A_780 = arith.subi %sign3A_776, %sign3A_779 : i32
      %sign3A_781 = arith.constant 0 : i32
      %sign3A_782 = arith.cmpi sgt, %jit3A_772, %sign3A_781 : i32
      %sign3A_783 = arith.extui %sign3A_782 : i1 to i32
      %sign3A_784 = arith.constant 0 : i32
      %sign3A_785 = arith.cmpi slt, %jit3A_772, %sign3A_784 : i32
      %sign3A_786 = arith.extui %sign3A_785 : i1 to i32
      %sign3A_787 = arith.subi %sign3A_783, %sign3A_786 : i32
      %ne3A_788 = arith.cmpi ne, %sign3A_780, %sign3A_787 : i32
      %rem3A_789 = arith.remsi %add3A_751, %jit3A_772 : i32
      %ne3A_790 = arith.constant 0 : i32
      %ne3A_791 = arith.cmpi ne, %rem3A_789, %ne3A_790 : i32
      %and3A_792 = arith.andi %ne3A_788, %ne3A_791 : i1
      %sub3A_793 = arith.constant 1 : i32
      %sub3A_794 = arith.subi %div3A_773, %sub3A_793 : i32
      %select_n3A_795 = arith.select %and3A_792, %sub3A_794, %div3A_773 : i32
      %add3A_796 = arith.constant 59 : i32
      %add3A_797 = arith.addi %add3A_796, %select_n3A_795 : i32
      %broadcast_in_dim3A_798 = vector.broadcast %add3A_797 : i32 to vector<16xi32>
      %add3A_799 = arith.constant 0 : i32
      %add3A_800 = vector.broadcast %add3A_799 : i32 to vector<16xi32>
      %add3A_801 = arith.addi %add3A_800, %add3A_771 : vector<16xi32>
      %gather3A_802 = tpu.vector_load_idx %arg4[%add3A_801, %broadcast_in_dim3A_798] : memref<512x128xf32, #tpu.memory_space<vmem>>[vector<16xi32>, vector<16xi32>], vector<16xf32>,
      %neg3A_803 = arith.constant 0.000000e+00 : f32
      %neg3A_804 = vector.broadcast %neg3A_803 : f32 to vector<16xf32>
      %neg3A_805 = arith.subf %neg3A_804, %gather3A_802 : vector<16xf32>
      %exp3A_806 = math.exp %neg3A_805 : vector<16xf32>
      %add3A_807 = arith.constant 1.000000e+00 : f32
      %add3A_808 = vector.broadcast %add3A_807 : f32 to vector<16xf32>
      %add3A_809 = arith.addf %add3A_808, %exp3A_806 : vector<16xf32>
      %div3A_810 = arith.constant 1.000000e+00 : f32
      %div3A_811 = vector.broadcast %div3A_810 : f32 to vector<16xf32>
      %div3A_812 = arith.divf %div3A_811, %add3A_809 : vector<16xf32>
      %mul3A_813 = arith.constant 5 : i32
      %mul3A_814 = vector.broadcast %mul3A_813 : i32 to vector<16xi32>
      %mul3A_815 = arith.muli %mul3A_814, %add3A_771 : vector<16xi32>
      %jit3A_816 = arith.constant 16 : i32
      %div3A_817 = arith.divsi %add3A_751, %jit3A_816 : i32
      %sign3A_818 = arith.constant 0 : i32
      %sign3A_819 = arith.cmpi sgt, %add3A_751, %sign3A_818 : i32
      %sign3A_820 = arith.extui %sign3A_819 : i1 to i32
      %sign3A_821 = arith.constant 0 : i32
      %sign3A_822 = arith.cmpi slt, %add3A_751, %sign3A_821 : i32
      %sign3A_823 = arith.extui %sign3A_822 : i1 to i32
      %sign3A_824 = arith.subi %sign3A_820, %sign3A_823 : i32
      %sign3A_825 = arith.constant 0 : i32
      %sign3A_826 = arith.cmpi sgt, %jit3A_816, %sign3A_825 : i32
      %sign3A_827 = arith.extui %sign3A_826 : i1 to i32
      %sign3A_828 = arith.constant 0 : i32
      %sign3A_829 = arith.cmpi slt, %jit3A_816, %sign3A_828 : i32
      %sign3A_830 = arith.extui %sign3A_829 : i1 to i32
      %sign3A_831 = arith.subi %sign3A_827, %sign3A_830 : i32
      %ne3A_832 = arith.cmpi ne, %sign3A_824, %sign3A_831 : i32
      %rem3A_833 = arith.remsi %add3A_751, %jit3A_816 : i32
      %ne3A_834 = arith.constant 0 : i32
      %ne3A_835 = arith.cmpi ne, %rem3A_833, %ne3A_834 : i32
      %and3A_836 = arith.andi %ne3A_832, %ne3A_835 : i1
      %sub3A_837 = arith.constant 1 : i32
      %sub3A_838 = arith.subi %div3A_817, %sub3A_837 : i32
      %select_n3A_839 = arith.select %and3A_836, %sub3A_838, %div3A_817 : i32
      %add3A_840 = vector.broadcast %select_n3A_839 : i32 to vector<16xi32>
      %add3A_841 = arith.addi %mul3A_815, %add3A_840 : vector<16xi32>
      %gt3A_842 = arith.cmpf ogt, %div3A_812, %scan3A_453 : vector<16xf32>
      %eq3A_843 = arith.cmpf oeq, %div3A_812, %scan3A_453 : vector<16xf32>
      %lt3A_844 = arith.cmpi slt, %add3A_841, %scan3A_454 : vector<16xi32>
      %and3A_845 = arith.andi %eq3A_843, %lt3A_844 : vector<16xi1>
      %or3A_846 = arith.ori %gt3A_842, %and3A_845 : vector<16xi1>
      %select_n3A_847 = arith.select %or3A_846, %div3A_812, %scan3A_453 : vector<16xi1>, vector<16xf32>
      %select_n3A_848 = arith.select %or3A_846, %add3A_841, %scan3A_454 : vector<16xi1>, vector<16xi32>
      scf.yield %select_n3A_550, %select_n3A_551, %select_n3A_649, %select_n3A_650, %select_n3A_748, %select_n3A_749, %select_n3A_847, %select_n3A_848 : vector<16xf32>, vector<16xi32>, vector<16xf32>, vector<16xi32>, vector<16xf32>, vector<16xi32>, vector<16xf32>, vector<16xi32>
    }
    %scan3A_56 = arith.constant 20 : i32
    %gt3A = arith.cmpf ogt, %scan3A_55#2, %scan3A_55#0 : vector<16xf32>
    %eq3A = arith.cmpf oeq, %scan3A_55#2, %scan3A_55#0 : vector<16xf32>
    %lt3A = arith.cmpi slt, %scan3A_55#3, %scan3A_55#1 : vector<16xi32>
    %and3A = arith.andi %eq3A, %lt3A : vector<16xi1>
    %or3A = arith.ori %gt3A, %and3A : vector<16xi1>
    %select_n3A = arith.select %or3A, %scan3A_55#2, %scan3A_55#0 : vector<16xi1>, vector<16xf32>
    %select_n3A_57 = arith.select %or3A, %scan3A_55#3, %scan3A_55#1 : vector<16xi1>, vector<16xi32>
    %gt3A_58 = arith.cmpf ogt, %scan3A_55#4, %select_n3A : vector<16xf32>
    %eq3A_59 = arith.cmpf oeq, %scan3A_55#4, %select_n3A : vector<16xf32>
    %lt3A_60 = arith.cmpi slt, %scan3A_55#5, %select_n3A_57 : vector<16xi32>
    %and3A_61 = arith.andi %eq3A_59, %lt3A_60 : vector<16xi1>
    %or3A_62 = arith.ori %gt3A_58, %and3A_61 : vector<16xi1>
    %select_n3A_63 = arith.select %or3A_62, %scan3A_55#4, %select_n3A : vector<16xi1>, vector<16xf32>
    %select_n3A_64 = arith.select %or3A_62, %scan3A_55#5, %select_n3A_57 : vector<16xi1>, vector<16xi32>
    %gt3A_65 = arith.cmpf ogt, %scan3A_55#6, %select_n3A_63 : vector<16xf32>
    %eq3A_66 = arith.cmpf oeq, %scan3A_55#6, %select_n3A_63 : vector<16xf32>
    %lt3A_67 = arith.cmpi slt, %scan3A_55#7, %select_n3A_64 : vector<16xi32>
    %and3A_68 = arith.andi %eq3A_66, %lt3A_67 : vector<16xi1>
    %or3A_69 = arith.ori %gt3A_65, %and3A_68 : vector<16xi1>
    %select_n3A_70 = arith.select %or3A_69, %scan3A_55#6, %select_n3A_63 : vector<16xi1>, vector<16xf32>
    %select_n3A_71 = arith.select %or3A_69, %scan3A_55#7, %select_n3A_64 : vector<16xi1>, vector<16xi32>
    %swap3A = arith.constant 0 : index
    %swap3A_72 = tpu.vector_load %arg8[%swap3A] {strides = array<i32>} : memref<16xf32, #tpu.memory_space<vmem>>, vector<16xf32>,
    tpu.vector_store %arg8[%swap3A], %select_n3A_70 {strides = array<i32>} : memref<16xf32, #tpu.memory_space<vmem>>, vector<16xf32>,
    %swap3A_73 = arith.constant 0 : index
    %swap3A_74 = tpu.vector_load %arg9[%swap3A_73] {strides = array<i32>} : memref<16xi32, #tpu.memory_space<vmem>>, vector<16xi32>,
    tpu.vector_store %arg9[%swap3A_73], %select_n3A_71 {strides = array<i32>} : memref<16xi32, #tpu.memory_space<vmem>>, vector<16xi32>,
    %xor3A = arith.constant 1 : i32
    %xor3A_75 = vector.broadcast %xor3A : i32 to vector<16xi32>
    %xor3A_76 = arith.xori %iota3A, %xor3A_75 : vector<16xi32>
    %gather3A = tpu.vector_load_idx %arg8[%xor3A_76] : memref<16xf32, #tpu.memory_space<vmem>>[vector<16xi32>], vector<16xf32>,
    %gather3A_77 = tpu.vector_load_idx %arg9[%xor3A_76] : memref<16xi32, #tpu.memory_space<vmem>>[vector<16xi32>], vector<16xi32>,
    %gt3A_78 = arith.cmpf ogt, %gather3A, %select_n3A_70 : vector<16xf32>
    %eq3A_79 = arith.cmpf oeq, %gather3A, %select_n3A_70 : vector<16xf32>
    %lt3A_80 = arith.cmpi slt, %gather3A_77, %select_n3A_71 : vector<16xi32>
    %and3A_81 = arith.andi %eq3A_79, %lt3A_80 : vector<16xi1>
    %or3A_82 = arith.ori %gt3A_78, %and3A_81 : vector<16xi1>
    %select_n3A_83 = arith.select %or3A_82, %gather3A, %select_n3A_70 : vector<16xi1>, vector<16xf32>
    %select_n3A_84 = arith.select %or3A_82, %gather3A_77, %select_n3A_71 : vector<16xi1>, vector<16xi32>
    %swap3A_85 = arith.constant 0 : index
    %swap3A_86 = tpu.vector_load %arg8[%swap3A_85] {strides = array<i32>} : memref<16xf32, #tpu.memory_space<vmem>>, vector<16xf32>,
    tpu.vector_store %arg8[%swap3A_85], %select_n3A_83 {strides = array<i32>} : memref<16xf32, #tpu.memory_space<vmem>>, vector<16xf32>,
    %swap3A_87 = arith.constant 0 : index
    %swap3A_88 = tpu.vector_load %arg9[%swap3A_87] {strides = array<i32>} : memref<16xi32, #tpu.memory_space<vmem>>, vector<16xi32>,
    tpu.vector_store %arg9[%swap3A_87], %select_n3A_84 {strides = array<i32>} : memref<16xi32, #tpu.memory_space<vmem>>, vector<16xi32>,
    %xor3A_89 = arith.constant 2 : i32
    %xor3A_90 = vector.broadcast %xor3A_89 : i32 to vector<16xi32>
    %xor3A_91 = arith.xori %iota3A, %xor3A_90 : vector<16xi32>
    %gather3A_92 = tpu.vector_load_idx %arg8[%xor3A_91] : memref<16xf32, #tpu.memory_space<vmem>>[vector<16xi32>], vector<16xf32>,
    %gather3A_93 = tpu.vector_load_idx %arg9[%xor3A_91] : memref<16xi32, #tpu.memory_space<vmem>>[vector<16xi32>], vector<16xi32>,
    %gt3A_94 = arith.cmpf ogt, %gather3A_92, %select_n3A_83 : vector<16xf32>
    %eq3A_95 = arith.cmpf oeq, %gather3A_92, %select_n3A_83 : vector<16xf32>
    %lt3A_96 = arith.cmpi slt, %gather3A_93, %select_n3A_84 : vector<16xi32>
    %and3A_97 = arith.andi %eq3A_95, %lt3A_96 : vector<16xi1>
    %or3A_98 = arith.ori %gt3A_94, %and3A_97 : vector<16xi1>
    %select_n3A_99 = arith.select %or3A_98, %gather3A_92, %select_n3A_83 : vector<16xi1>, vector<16xf32>
    %select_n3A_100 = arith.select %or3A_98, %gather3A_93, %select_n3A_84 : vector<16xi1>, vector<16xi32>
    %swap3A_101 = arith.constant 0 : index
    %swap3A_102 = tpu.vector_load %arg8[%swap3A_101] {strides = array<i32>} : memref<16xf32, #tpu.memory_space<vmem>>, vector<16xf32>,
    tpu.vector_store %arg8[%swap3A_101], %select_n3A_99 {strides = array<i32>} : memref<16xf32, #tpu.memory_space<vmem>>, vector<16xf32>,
    %swap3A_103 = arith.constant 0 : index
    %swap3A_104 = tpu.vector_load %arg9[%swap3A_103] {strides = array<i32>} : memref<16xi32, #tpu.memory_space<vmem>>, vector<16xi32>,
    tpu.vector_store %arg9[%swap3A_103], %select_n3A_100 {strides = array<i32>} : memref<16xi32, #tpu.memory_space<vmem>>, vector<16xi32>,
    %xor3A_105 = arith.constant 4 : i32
    %xor3A_106 = vector.broadcast %xor3A_105 : i32 to vector<16xi32>
    %xor3A_107 = arith.xori %iota3A, %xor3A_106 : vector<16xi32>
    %gather3A_108 = tpu.vector_load_idx %arg8[%xor3A_107] : memref<16xf32, #tpu.memory_space<vmem>>[vector<16xi32>], vector<16xf32>,
    %gather3A_109 = tpu.vector_load_idx %arg9[%xor3A_107] : memref<16xi32, #tpu.memory_space<vmem>>[vector<16xi32>], vector<16xi32>,
    %gt3A_110 = arith.cmpf ogt, %gather3A_108, %select_n3A_99 : vector<16xf32>
    %eq3A_111 = arith.cmpf oeq, %gather3A_108, %select_n3A_99 : vector<16xf32>
    %lt3A_112 = arith.cmpi slt, %gather3A_109, %select_n3A_100 : vector<16xi32>
    %and3A_113 = arith.andi %eq3A_111, %lt3A_112 : vector<16xi1>
    %or3A_114 = arith.ori %gt3A_110, %and3A_113 : vector<16xi1>
    %select_n3A_115 = arith.select %or3A_114, %gather3A_108, %select_n3A_99 : vector<16xi1>, vector<16xf32>
    %select_n3A_116 = arith.select %or3A_114, %gather3A_109, %select_n3A_100 : vector<16xi1>, vector<16xi32>
    %swap3A_117 = arith.constant 0 : index
    %swap3A_118 = tpu.vector_load %arg8[%swap3A_117] {strides = array<i32>} : memref<16xf32, #tpu.memory_space<vmem>>, vector<16xf32>,
    tpu.vector_store %arg8[%swap3A_117], %select_n3A_115 {strides = array<i32>} : memref<16xf32, #tpu.memory_space<vmem>>, vector<16xf32>,
    %swap3A_119 = arith.constant 0 : index
    %swap3A_120 = tpu.vector_load %arg9[%swap3A_119] {strides = array<i32>} : memref<16xi32, #tpu.memory_space<vmem>>, vector<16xi32>,
    tpu.vector_store %arg9[%swap3A_119], %select_n3A_116 {strides = array<i32>} : memref<16xi32, #tpu.memory_space<vmem>>, vector<16xi32>,
    %xor3A_121 = arith.constant 8 : i32
    %xor3A_122 = vector.broadcast %xor3A_121 : i32 to vector<16xi32>
    %xor3A_123 = arith.xori %iota3A, %xor3A_122 : vector<16xi32>
    %gather3A_124 = tpu.vector_load_idx %arg8[%xor3A_123] : memref<16xf32, #tpu.memory_space<vmem>>[vector<16xi32>], vector<16xf32>,
    %gather3A_125 = tpu.vector_load_idx %arg9[%xor3A_123] : memref<16xi32, #tpu.memory_space<vmem>>[vector<16xi32>], vector<16xi32>,
    %gt3A_126 = arith.cmpf ogt, %gather3A_124, %select_n3A_115 : vector<16xf32>
    %eq3A_127 = arith.cmpf oeq, %gather3A_124, %select_n3A_115 : vector<16xf32>
    %lt3A_128 = arith.cmpi slt, %gather3A_125, %select_n3A_116 : vector<16xi32>
    %and3A_129 = arith.andi %eq3A_127, %lt3A_128 : vector<16xi1>
    %or3A_130 = arith.ori %gt3A_126, %and3A_129 : vector<16xi1>
    %select_n3A_131 = arith.select %or3A_130, %gather3A_124, %select_n3A_115 : vector<16xi1>, vector<16xf32>
    %select_n3A_132 = arith.select %or3A_130, %gather3A_125, %select_n3A_116 : vector<16xi1>, vector<16xi32>
    %slice3A = vector.extract_strided_slice %select_n3A_132 {offsets = [0], sizes = [1], strides = [1]} : vector<16xi32> to vector<1xi32>
    %squeeze3A = vector.extract %slice3A[0] : i32 from vector<1xi32>
    %jit3A = arith.constant 5 : i32
    %eq3A_133 = arith.constant 0 : i32
    %eq3A_134 = arith.cmpi eq, %jit3A, %eq3A_133 : i32
    %jit3A_135 = arith.constant 1 : i32
    %select_n3A_136 = arith.select %eq3A_134, %jit3A_135, %jit3A : i32
    %rem3A = arith.remsi %squeeze3A, %select_n3A_136 : i32
    %ne3A = arith.constant 0 : i32
    %ne3A_137 = arith.cmpi ne, %rem3A, %ne3A : i32
    %lt3A_138 = arith.constant 0 : i32
    %lt3A_139 = arith.cmpi slt, %rem3A, %lt3A_138 : i32
    %lt3A_140 = arith.constant 0 : i32
    %lt3A_141 = arith.cmpi slt, %select_n3A_136, %lt3A_140 : i32
    %ne3A_142 = arith.xori %lt3A_139, %lt3A_141 : i1
    %and3A_143 = arith.andi %ne3A_142, %ne3A_137 : i1
    %add3A_144 = arith.addi %rem3A, %select_n3A_136 : i32
    %select_n3A_145 = arith.select %and3A_143, %add3A_144, %rem3A : i32
    %jit3A_146 = arith.constant 5 : i32
    %div3A = arith.divsi %squeeze3A, %jit3A_146 : i32
    %sign3A = arith.constant 0 : i32
    %sign3A_147 = arith.cmpi sgt, %squeeze3A, %sign3A : i32
    %sign3A_148 = arith.extui %sign3A_147 : i1 to i32
    %sign3A_149 = arith.constant 0 : i32
    %sign3A_150 = arith.cmpi slt, %squeeze3A, %sign3A_149 : i32
    %sign3A_151 = arith.extui %sign3A_150 : i1 to i32
    %sign3A_152 = arith.subi %sign3A_148, %sign3A_151 : i32
    %sign3A_153 = arith.constant 0 : i32
    %sign3A_154 = arith.cmpi sgt, %jit3A_146, %sign3A_153 : i32
    %sign3A_155 = arith.extui %sign3A_154 : i1 to i32
    %sign3A_156 = arith.constant 0 : i32
    %sign3A_157 = arith.cmpi slt, %jit3A_146, %sign3A_156 : i32
    %sign3A_158 = arith.extui %sign3A_157 : i1 to i32
    %sign3A_159 = arith.subi %sign3A_155, %sign3A_158 : i32
    %ne3A_160 = arith.cmpi ne, %sign3A_152, %sign3A_159 : i32
    %rem3A_161 = arith.remsi %squeeze3A, %jit3A_146 : i32
    %ne3A_162 = arith.constant 0 : i32
    %ne3A_163 = arith.cmpi ne, %rem3A_161, %ne3A_162 : i32
    %and3A_164 = arith.andi %ne3A_160, %ne3A_163 : i1
    %sub3A = arith.constant 1 : i32
    %sub3A_165 = arith.subi %div3A, %sub3A : i32
    %select_n3A_166 = arith.select %and3A_164, %sub3A_165, %div3A : i32
    %jit3A_167 = arith.constant 8 : i32
    %div3A_168 = arith.divsi %select_n3A_166, %jit3A_167 : i32
    %sign3A_169 = arith.constant 0 : i32
    %sign3A_170 = arith.cmpi sgt, %select_n3A_166, %sign3A_169 : i32
    %sign3A_171 = arith.extui %sign3A_170 : i1 to i32
    %sign3A_172 = arith.constant 0 : i32
    %sign3A_173 = arith.cmpi slt, %select_n3A_166, %sign3A_172 : i32
    %sign3A_174 = arith.extui %sign3A_173 : i1 to i32
    %sign3A_175 = arith.subi %sign3A_171, %sign3A_174 : i32
    %sign3A_176 = arith.constant 0 : i32
    %sign3A_177 = arith.cmpi sgt, %jit3A_167, %sign3A_176 : i32
    %sign3A_178 = arith.extui %sign3A_177 : i1 to i32
    %sign3A_179 = arith.constant 0 : i32
    %sign3A_180 = arith.cmpi slt, %jit3A_167, %sign3A_179 : i32
    %sign3A_181 = arith.extui %sign3A_180 : i1 to i32
    %sign3A_182 = arith.subi %sign3A_178, %sign3A_181 : i32
    %ne3A_183 = arith.cmpi ne, %sign3A_175, %sign3A_182 : i32
    %rem3A_184 = arith.remsi %select_n3A_166, %jit3A_167 : i32
    %ne3A_185 = arith.constant 0 : i32
    %ne3A_186 = arith.cmpi ne, %rem3A_184, %ne3A_185 : i32
    %and3A_187 = arith.andi %ne3A_183, %ne3A_186 : i1
    %sub3A_188 = arith.constant 1 : i32
    %sub3A_189 = arith.subi %div3A_168, %sub3A_188 : i32
    %select_n3A_190 = arith.select %and3A_187, %sub3A_189, %div3A_168 : i32
    %mul3A_191 = arith.constant 8 : i32
    %mul3A_192 = arith.muli %select_n3A_190, %mul3A_191 : i32
    %add3A_193 = arith.addi %mul3A_4, %mul3A_192 : i32
    %dma_start3A_194 = arith.constant 256 : i32
    %dma_start3A_195 = tpu.memref_slice %arg2[%add3A_193, %dma_start3A_194] : memref<16384x2705xf32, #tpu.memory_space<hbm>> -> memref<8x2449xf32, #tpu.memory_space<hbm>>
    %dma_start3A_196 = arith.constant 256 : i32
    %dma_start3A_197 = tpu.memref_slice %arg2[%add3A_193, %dma_start3A_196] : memref<16384x2705xf32, #tpu.memory_space<hbm>> -> memref<8x2449xf32, #tpu.memory_space<hbm>>
    tpu.enqueue_dma source(%dma_start3A_197 : memref<8x2449xf32, #tpu.memory_space<hbm>>) target(%arg5 : memref<8x2449xf32, #tpu.memory_space<vmem>>) target_semaphore(%arg12 : memref<!tpu.dma_semaphore, #tpu.memory_space<semaphore_mem>>)
    %dma_wait3A_198 = arith.constant 256 : i32
    %dma_wait3A_199 = arith.constant 0 : i32
    %dma_wait3A_200 = tpu.memref_slice %arg4[%dma_wait3A_198, %dma_wait3A_199] : memref<512x128xf32, #tpu.memory_space<vmem>> -> memref<256x128xf32, #tpu.memory_space<vmem>>
    %dma_wait3A_201 = arith.constant 256 : i32
    %dma_wait3A_202 = tpu.memref_slice %arg2[%mul3A_8, %dma_wait3A_201] : memref<16384x2705xf32, #tpu.memory_space<hbm>> -> memref<256x128xf32, #tpu.memory_space<hbm>>
    %dma_wait3A_203 = arith.constant 256 : i32
    %dma_wait3A_204 = arith.constant 0 : i32
    %dma_wait3A_205 = tpu.memref_slice %arg4[%dma_wait3A_203, %dma_wait3A_204] : memref<512x128xf32, #tpu.memory_space<vmem>> -> memref<256x128xf32, #tpu.memory_space<vmem>>
    %dma_wait3A_206 = arith.constant 256 : i32
    %dma_wait3A_207 = tpu.memref_slice %arg2[%mul3A_8, %dma_wait3A_206] : memref<16384x2705xf32, #tpu.memory_space<hbm>> -> memref<256x128xf32, #tpu.memory_space<hbm>>
    tpu.wait_dma2 semaphore(%arg11 : memref<!tpu.dma_semaphore, #tpu.memory_space<semaphore_mem>>) src(%dma_wait3A_207 : memref<256x128xf32, #tpu.memory_space<hbm>>) dst(%dma_wait3A_205 : memref<256x128xf32, #tpu.memory_space<vmem>>)
    %broadcast_in_dim3A_208 = arith.constant -1.000000e+00 : f32
    %broadcast_in_dim3A_209 = vector.broadcast %broadcast_in_dim3A_208 : f32 to vector<16xf32>
    %broadcast_in_dim3A_210 = arith.constant 0 : i32
    %broadcast_in_dim3A_211 = vector.broadcast %broadcast_in_dim3A_210 : i32 to vector<16xi32>
    %broadcast_in_dim3A_212 = arith.constant -1.000000e+00 : f32
    %broadcast_in_dim3A_213 = vector.broadcast %broadcast_in_dim3A_212 : f32 to vector<16xf32>
    %broadcast_in_dim3A_214 = arith.constant 0 : i32
    %broadcast_in_dim3A_215 = vector.broadcast %broadcast_in_dim3A_214 : i32 to vector<16xi32>
    %broadcast_in_dim3A_216 = arith.constant -1.000000e+00 : f32
    %broadcast_in_dim3A_217 = vector.broadcast %broadcast_in_dim3A_216 : f32 to vector<16xf32>
    %broadcast_in_dim3A_218 = arith.constant 0 : i32
    %broadcast_in_dim3A_219 = vector.broadcast %broadcast_in_dim3A_218 : i32 to vector<16xi32>
    %broadcast_in_dim3A_220 = arith.constant -1.000000e+00 : f32
    %broadcast_in_dim3A_221 = vector.broadcast %broadcast_in_dim3A_220 : f32 to vector<16xf32>
    %broadcast_in_dim3A_222 = arith.constant 0 : i32
    %broadcast_in_dim3A_223 = vector.broadcast %broadcast_in_dim3A_222 : i32 to vector<16xi32>
    %scan3A_224 = arith.constant 0 : i32
    %scan3A_225 = arith.constant 20 : i32
    %scan3A_226 = arith.addi %scan3A_224, %scan3A_225 : i32
    %scan3A_227 = arith.constant 1 : i32
    %scan3A_228:8 = scf.for %scan3A_446 = %scan3A_224 to %scan3A_226 step %scan3A_227 iter_args(%scan3A_447 = %broadcast_in_dim3A_209, %scan3A_448 = %broadcast_in_dim3A_211, %scan3A_449 = %broadcast_in_dim3A_213, %scan3A_450 = %broadcast_in_dim3A_215, %scan3A_451 = %broadcast_in_dim3A_217, %scan3A_452 = %broadcast_in_dim3A_219, %scan3A_453 = %broadcast_in_dim3A_221, %scan3A_454 = %broadcast_in_dim3A_223) -> (vector<16xf32>, vector<16xi32>, vector<16xf32>, vector<16xi32>, vector<16xf32>, vector<16xi32>, vector<16xf32>, vector<16xi32>)  : i32 {
      %add3A_455 = arith.constant 0 : i32
      %add3A_456 = arith.addi %scan3A_446, %add3A_455 : i32
      %jit3A_457 = arith.constant 16 : i32
      %eq3A_458 = arith.constant 0 : i32
      %eq3A_459 = arith.cmpi eq, %jit3A_457, %eq3A_458 : i32
      %jit3A_460 = arith.constant 1 : i32
      %select_n3A_461 = arith.select %eq3A_459, %jit3A_460, %jit3A_457 : i32
      %rem3A_462 = arith.remsi %add3A_456, %select_n3A_461 : i32
      %ne3A_463 = arith.constant 0 : i32
      %ne3A_464 = arith.cmpi ne, %rem3A_462, %ne3A_463 : i32
      %lt3A_465 = arith.constant 0 : i32
      %lt3A_466 = arith.cmpi slt, %rem3A_462, %lt3A_465 : i32
      %lt3A_467 = arith.constant 0 : i32
      %lt3A_468 = arith.cmpi slt, %select_n3A_461, %lt3A_467 : i32
      %ne3A_469 = arith.xori %lt3A_466, %lt3A_468 : i1
      %and3A_470 = arith.andi %ne3A_469, %ne3A_464 : i1
      %add3A_471 = arith.addi %rem3A_462, %select_n3A_461 : i32
      %select_n3A_472 = arith.select %and3A_470, %add3A_471, %rem3A_462 : i32
      %mul3A_473 = arith.constant 16 : i32
      %mul3A_474 = arith.muli %mul3A_473, %select_n3A_472 : i32
      %add3A_475 = vector.broadcast %mul3A_474 : i32 to vector<16xi32>
      %add3A_476 = arith.addi %add3A_475, %iota3A : vector<16xi32>
      %jit3A_477 = arith.constant 16 : i32
      %div3A_478 = arith.divsi %add3A_456, %jit3A_477 : i32
      %sign3A_479 = arith.constant 0 : i32
      %sign3A_480 = arith.cmpi sgt, %add3A_456, %sign3A_479 : i32
      %sign3A_481 = arith.extui %sign3A_480 : i1 to i32
      %sign3A_482 = arith.constant 0 : i32
      %sign3A_483 = arith.cmpi slt, %add3A_456, %sign3A_482 : i32
      %sign3A_484 = arith.extui %sign3A_483 : i1 to i32
      %sign3A_485 = arith.subi %sign3A_481, %sign3A_484 : i32
      %sign3A_486 = arith.constant 0 : i32
      %sign3A_487 = arith.cmpi sgt, %jit3A_477, %sign3A_486 : i32
      %sign3A_488 = arith.extui %sign3A_487 : i1 to i32
      %sign3A_489 = arith.constant 0 : i32
      %sign3A_490 = arith.cmpi slt, %jit3A_477, %sign3A_489 : i32
      %sign3A_491 = arith.extui %sign3A_490 : i1 to i32
      %sign3A_492 = arith.subi %sign3A_488, %sign3A_491 : i32
      %ne3A_493 = arith.cmpi ne, %sign3A_485, %sign3A_492 : i32
      %rem3A_494 = arith.remsi %add3A_456, %jit3A_477 : i32
      %ne3A_495 = arith.constant 0 : i32
      %ne3A_496 = arith.cmpi ne, %rem3A_494, %ne3A_495 : i32
      %and3A_497 = arith.andi %ne3A_493, %ne3A_496 : i1
      %sub3A_498 = arith.constant 1 : i32
      %sub3A_499 = arith.subi %div3A_478, %sub3A_498 : i32
      %select_n3A_500 = arith.select %and3A_497, %sub3A_499, %div3A_478 : i32
      %add3A_501 = arith.constant 59 : i32
      %add3A_502 = arith.addi %add3A_501, %select_n3A_500 : i32
      %broadcast_in_dim3A_503 = vector.broadcast %add3A_502 : i32 to vector<16xi32>
      %add3A_504 = arith.constant 256 : i32
      %add3A_505 = vector.broadcast %add3A_504 : i32 to vector<16xi32>
      %add3A_506 = arith.addi %add3A_505, %add3A_476 : vector<16xi32>
      %gather3A_507 = tpu.vector_load_idx %arg4[%add3A_506, %broadcast_in_dim3A_503] : memref<512x128xf32, #tpu.memory_space<vmem>>[vector<16xi32>, vector<16xi32>], vector<16xf32>,
      %neg3A = arith.constant 0.000000e+00 : f32
      %neg3A_508 = vector.broadcast %neg3A : f32 to vector<16xf32>
      %neg3A_509 = arith.subf %neg3A_508, %gather3A_507 : vector<16xf32>
      %exp3A = math.exp %neg3A_509 : vector<16xf32>
      %add3A_510 = arith.constant 1.000000e+00 : f32
      %add3A_511 = vector.broadcast %add3A_510 : f32 to vector<16xf32>
      %add3A_512 = arith.addf %add3A_511, %exp3A : vector<16xf32>
      %div3A_513 = arith.constant 1.000000e+00 : f32
      %div3A_514 = vector.broadcast %div3A_513 : f32 to vector<16xf32>
      %div3A_515 = arith.divf %div3A_514, %add3A_512 : vector<16xf32>
      %mul3A_516 = arith.constant 5 : i32
      %mul3A_517 = vector.broadcast %mul3A_516 : i32 to vector<16xi32>
      %mul3A_518 = arith.muli %mul3A_517, %add3A_476 : vector<16xi32>
      %jit3A_519 = arith.constant 16 : i32
      %div3A_520 = arith.divsi %add3A_456, %jit3A_519 : i32
      %sign3A_521 = arith.constant 0 : i32
      %sign3A_522 = arith.cmpi sgt, %add3A_456, %sign3A_521 : i32
      %sign3A_523 = arith.extui %sign3A_522 : i1 to i32
      %sign3A_524 = arith.constant 0 : i32
      %sign3A_525 = arith.cmpi slt, %add3A_456, %sign3A_524 : i32
      %sign3A_526 = arith.extui %sign3A_525 : i1 to i32
      %sign3A_527 = arith.subi %sign3A_523, %sign3A_526 : i32
      %sign3A_528 = arith.constant 0 : i32
      %sign3A_529 = arith.cmpi sgt, %jit3A_519, %sign3A_528 : i32
      %sign3A_530 = arith.extui %sign3A_529 : i1 to i32
      %sign3A_531 = arith.constant 0 : i32
      %sign3A_532 = arith.cmpi slt, %jit3A_519, %sign3A_531 : i32
      %sign3A_533 = arith.extui %sign3A_532 : i1 to i32
      %sign3A_534 = arith.subi %sign3A_530, %sign3A_533 : i32
      %ne3A_535 = arith.cmpi ne, %sign3A_527, %sign3A_534 : i32
      %rem3A_536 = arith.remsi %add3A_456, %jit3A_519 : i32
      %ne3A_537 = arith.constant 0 : i32
      %ne3A_538 = arith.cmpi ne, %rem3A_536, %ne3A_537 : i32
      %and3A_539 = arith.andi %ne3A_535, %ne3A_538 : i1
      %sub3A_540 = arith.constant 1 : i32
      %sub3A_541 = arith.subi %div3A_520, %sub3A_540 : i32
      %select_n3A_542 = arith.select %and3A_539, %sub3A_541, %div3A_520 : i32
      %add3A_543 = vector.broadcast %select_n3A_542 : i32 to vector<16xi32>
      %add3A_544 = arith.addi %mul3A_518, %add3A_543 : vector<16xi32>
      %gt3A_545 = arith.cmpf ogt, %div3A_515, %scan3A_447 : vector<16xf32>
      %eq3A_546 = arith.cmpf oeq, %div3A_515, %scan3A_447 : vector<16xf32>
      %lt3A_547 = arith.cmpi slt, %add3A_544, %scan3A_448 : vector<16xi32>
      %and3A_548 = arith.andi %eq3A_546, %lt3A_547 : vector<16xi1>
      %or3A_549 = arith.ori %gt3A_545, %and3A_548 : vector<16xi1>
      %select_n3A_550 = arith.select %or3A_549, %div3A_515, %scan3A_447 : vector<16xi1>, vector<16xf32>
      %select_n3A_551 = arith.select %or3A_549, %add3A_544, %scan3A_448 : vector<16xi1>, vector<16xi32>
      %add3A_552 = arith.constant 20 : i32
      %add3A_553 = arith.addi %scan3A_446, %add3A_552 : i32
      %jit3A_554 = arith.constant 16 : i32
      %eq3A_555 = arith.constant 0 : i32
      %eq3A_556 = arith.cmpi eq, %jit3A_554, %eq3A_555 : i32
      %jit3A_557 = arith.constant 1 : i32
      %select_n3A_558 = arith.select %eq3A_556, %jit3A_557, %jit3A_554 : i32
      %rem3A_559 = arith.remsi %add3A_553, %select_n3A_558 : i32
      %ne3A_560 = arith.constant 0 : i32
      %ne3A_561 = arith.cmpi ne, %rem3A_559, %ne3A_560 : i32
      %lt3A_562 = arith.constant 0 : i32
      %lt3A_563 = arith.cmpi slt, %rem3A_559, %lt3A_562 : i32
      %lt3A_564 = arith.constant 0 : i32
      %lt3A_565 = arith.cmpi slt, %select_n3A_558, %lt3A_564 : i32
      %ne3A_566 = arith.xori %lt3A_563, %lt3A_565 : i1
      %and3A_567 = arith.andi %ne3A_566, %ne3A_561 : i1
      %add3A_568 = arith.addi %rem3A_559, %select_n3A_558 : i32
      %select_n3A_569 = arith.select %and3A_567, %add3A_568, %rem3A_559 : i32
      %mul3A_570 = arith.constant 16 : i32
      %mul3A_571 = arith.muli %mul3A_570, %select_n3A_569 : i32
      %add3A_572 = vector.broadcast %mul3A_571 : i32 to vector<16xi32>
      %add3A_573 = arith.addi %add3A_572, %iota3A : vector<16xi32>
      %jit3A_574 = arith.constant 16 : i32
      %div3A_575 = arith.divsi %add3A_553, %jit3A_574 : i32
      %sign3A_576 = arith.constant 0 : i32
      %sign3A_577 = arith.cmpi sgt, %add3A_553, %sign3A_576 : i32
      %sign3A_578 = arith.extui %sign3A_577 : i1 to i32
      %sign3A_579 = arith.constant 0 : i32
      %sign3A_580 = arith.cmpi slt, %add3A_553, %sign3A_579 : i32
      %sign3A_581 = arith.extui %sign3A_580 : i1 to i32
      %sign3A_582 = arith.subi %sign3A_578, %sign3A_581 : i32
      %sign3A_583 = arith.constant 0 : i32
      %sign3A_584 = arith.cmpi sgt, %jit3A_574, %sign3A_583 : i32
      %sign3A_585 = arith.extui %sign3A_584 : i1 to i32
      %sign3A_586 = arith.constant 0 : i32
      %sign3A_587 = arith.cmpi slt, %jit3A_574, %sign3A_586 : i32
      %sign3A_588 = arith.extui %sign3A_587 : i1 to i32
      %sign3A_589 = arith.subi %sign3A_585, %sign3A_588 : i32
      %ne3A_590 = arith.cmpi ne, %sign3A_582, %sign3A_589 : i32
      %rem3A_591 = arith.remsi %add3A_553, %jit3A_574 : i32
      %ne3A_592 = arith.constant 0 : i32
      %ne3A_593 = arith.cmpi ne, %rem3A_591, %ne3A_592 : i32
      %and3A_594 = arith.andi %ne3A_590, %ne3A_593 : i1
      %sub3A_595 = arith.constant 1 : i32
      %sub3A_596 = arith.subi %div3A_575, %sub3A_595 : i32
      %select_n3A_597 = arith.select %and3A_594, %sub3A_596, %div3A_575 : i32
      %add3A_598 = arith.constant 59 : i32
      %add3A_599 = arith.addi %add3A_598, %select_n3A_597 : i32
      %broadcast_in_dim3A_600 = vector.broadcast %add3A_599 : i32 to vector<16xi32>
      %add3A_601 = arith.constant 256 : i32
      %add3A_602 = vector.broadcast %add3A_601 : i32 to vector<16xi32>
      %add3A_603 = arith.addi %add3A_602, %add3A_573 : vector<16xi32>
      %gather3A_604 = tpu.vector_load_idx %arg4[%add3A_603, %broadcast_in_dim3A_600] : memref<512x128xf32, #tpu.memory_space<vmem>>[vector<16xi32>, vector<16xi32>], vector<16xf32>,
      %neg3A_605 = arith.constant 0.000000e+00 : f32
      %neg3A_606 = vector.broadcast %neg3A_605 : f32 to vector<16xf32>
      %neg3A_607 = arith.subf %neg3A_606, %gather3A_604 : vector<16xf32>
      %exp3A_608 = math.exp %neg3A_607 : vector<16xf32>
      %add3A_609 = arith.constant 1.000000e+00 : f32
      %add3A_610 = vector.broadcast %add3A_609 : f32 to vector<16xf32>
      %add3A_611 = arith.addf %add3A_610, %exp3A_608 : vector<16xf32>
      %div3A_612 = arith.constant 1.000000e+00 : f32
      %div3A_613 = vector.broadcast %div3A_612 : f32 to vector<16xf32>
      %div3A_614 = arith.divf %div3A_613, %add3A_611 : vector<16xf32>
      %mul3A_615 = arith.constant 5 : i32
      %mul3A_616 = vector.broadcast %mul3A_615 : i32 to vector<16xi32>
      %mul3A_617 = arith.muli %mul3A_616, %add3A_573 : vector<16xi32>
      %jit3A_618 = arith.constant 16 : i32
      %div3A_619 = arith.divsi %add3A_553, %jit3A_618 : i32
      %sign3A_620 = arith.constant 0 : i32
      %sign3A_621 = arith.cmpi sgt, %add3A_553, %sign3A_620 : i32
      %sign3A_622 = arith.extui %sign3A_621 : i1 to i32
      %sign3A_623 = arith.constant 0 : i32
      %sign3A_624 = arith.cmpi slt, %add3A_553, %sign3A_623 : i32
      %sign3A_625 = arith.extui %sign3A_624 : i1 to i32
      %sign3A_626 = arith.subi %sign3A_622, %sign3A_625 : i32
      %sign3A_627 = arith.constant 0 : i32
      %sign3A_628 = arith.cmpi sgt, %jit3A_618, %sign3A_627 : i32
      %sign3A_629 = arith.extui %sign3A_628 : i1 to i32
      %sign3A_630 = arith.constant 0 : i32
      %sign3A_631 = arith.cmpi slt, %jit3A_618, %sign3A_630 : i32
      %sign3A_632 = arith.extui %sign3A_631 : i1 to i32
      %sign3A_633 = arith.subi %sign3A_629, %sign3A_632 : i32
      %ne3A_634 = arith.cmpi ne, %sign3A_626, %sign3A_633 : i32
      %rem3A_635 = arith.remsi %add3A_553, %jit3A_618 : i32
      %ne3A_636 = arith.constant 0 : i32
      %ne3A_637 = arith.cmpi ne, %rem3A_635, %ne3A_636 : i32
      %and3A_638 = arith.andi %ne3A_634, %ne3A_637 : i1
      %sub3A_639 = arith.constant 1 : i32
      %sub3A_640 = arith.subi %div3A_619, %sub3A_639 : i32
      %select_n3A_641 = arith.select %and3A_638, %sub3A_640, %div3A_619 : i32
      %add3A_642 = vector.broadcast %select_n3A_641 : i32 to vector<16xi32>
      %add3A_643 = arith.addi %mul3A_617, %add3A_642 : vector<16xi32>
      %gt3A_644 = arith.cmpf ogt, %div3A_614, %scan3A_449 : vector<16xf32>
      %eq3A_645 = arith.cmpf oeq, %div3A_614, %scan3A_449 : vector<16xf32>
      %lt3A_646 = arith.cmpi slt, %add3A_643, %scan3A_450 : vector<16xi32>
      %and3A_647 = arith.andi %eq3A_645, %lt3A_646 : vector<16xi1>
      %or3A_648 = arith.ori %gt3A_644, %and3A_647 : vector<16xi1>
      %select_n3A_649 = arith.select %or3A_648, %div3A_614, %scan3A_449 : vector<16xi1>, vector<16xf32>
      %select_n3A_650 = arith.select %or3A_648, %add3A_643, %scan3A_450 : vector<16xi1>, vector<16xi32>
      %add3A_651 = arith.constant 40 : i32
      %add3A_652 = arith.addi %scan3A_446, %add3A_651 : i32
      %jit3A_653 = arith.constant 16 : i32
      %eq3A_654 = arith.constant 0 : i32
      %eq3A_655 = arith.cmpi eq, %jit3A_653, %eq3A_654 : i32
      %jit3A_656 = arith.constant 1 : i32
      %select_n3A_657 = arith.select %eq3A_655, %jit3A_656, %jit3A_653 : i32
      %rem3A_658 = arith.remsi %add3A_652, %select_n3A_657 : i32
      %ne3A_659 = arith.constant 0 : i32
      %ne3A_660 = arith.cmpi ne, %rem3A_658, %ne3A_659 : i32
      %lt3A_661 = arith.constant 0 : i32
      %lt3A_662 = arith.cmpi slt, %rem3A_658, %lt3A_661 : i32
      %lt3A_663 = arith.constant 0 : i32
      %lt3A_664 = arith.cmpi slt, %select_n3A_657, %lt3A_663 : i32
      %ne3A_665 = arith.xori %lt3A_662, %lt3A_664 : i1
      %and3A_666 = arith.andi %ne3A_665, %ne3A_660 : i1
      %add3A_667 = arith.addi %rem3A_658, %select_n3A_657 : i32
      %select_n3A_668 = arith.select %and3A_666, %add3A_667, %rem3A_658 : i32
      %mul3A_669 = arith.constant 16 : i32
      %mul3A_670 = arith.muli %mul3A_669, %select_n3A_668 : i32
      %add3A_671 = vector.broadcast %mul3A_670 : i32 to vector<16xi32>
      %add3A_672 = arith.addi %add3A_671, %iota3A : vector<16xi32>
      %jit3A_673 = arith.constant 16 : i32
      %div3A_674 = arith.divsi %add3A_652, %jit3A_673 : i32
      %sign3A_675 = arith.constant 0 : i32
      %sign3A_676 = arith.cmpi sgt, %add3A_652, %sign3A_675 : i32
      %sign3A_677 = arith.extui %sign3A_676 : i1 to i32
      %sign3A_678 = arith.constant 0 : i32
      %sign3A_679 = arith.cmpi slt, %add3A_652, %sign3A_678 : i32
      %sign3A_680 = arith.extui %sign3A_679 : i1 to i32
      %sign3A_681 = arith.subi %sign3A_677, %sign3A_680 : i32
      %sign3A_682 = arith.constant 0 : i32
      %sign3A_683 = arith.cmpi sgt, %jit3A_673, %sign3A_682 : i32
      %sign3A_684 = arith.extui %sign3A_683 : i1 to i32
      %sign3A_685 = arith.constant 0 : i32
      %sign3A_686 = arith.cmpi slt, %jit3A_673, %sign3A_685 : i32
      %sign3A_687 = arith.extui %sign3A_686 : i1 to i32
      %sign3A_688 = arith.subi %sign3A_684, %sign3A_687 : i32
      %ne3A_689 = arith.cmpi ne, %sign3A_681, %sign3A_688 : i32
      %rem3A_690 = arith.remsi %add3A_652, %jit3A_673 : i32
      %ne3A_691 = arith.constant 0 : i32
      %ne3A_692 = arith.cmpi ne, %rem3A_690, %ne3A_691 : i32
      %and3A_693 = arith.andi %ne3A_689, %ne3A_692 : i1
      %sub3A_694 = arith.constant 1 : i32
      %sub3A_695 = arith.subi %div3A_674, %sub3A_694 : i32
      %select_n3A_696 = arith.select %and3A_693, %sub3A_695, %div3A_674 : i32
      %add3A_697 = arith.constant 59 : i32
      %add3A_698 = arith.addi %add3A_697, %select_n3A_696 : i32
      %broadcast_in_dim3A_699 = vector.broadcast %add3A_698 : i32 to vector<16xi32>
      %add3A_700 = arith.constant 256 : i32
      %add3A_701 = vector.broadcast %add3A_700 : i32 to vector<16xi32>
      %add3A_702 = arith.addi %add3A_701, %add3A_672 : vector<16xi32>
      %gather3A_703 = tpu.vector_load_idx %arg4[%add3A_702, %broadcast_in_dim3A_699] : memref<512x128xf32, #tpu.memory_space<vmem>>[vector<16xi32>, vector<16xi32>], vector<16xf32>,
      %neg3A_704 = arith.constant 0.000000e+00 : f32
      %neg3A_705 = vector.broadcast %neg3A_704 : f32 to vector<16xf32>
      %neg3A_706 = arith.subf %neg3A_705, %gather3A_703 : vector<16xf32>
      %exp3A_707 = math.exp %neg3A_706 : vector<16xf32>
      %add3A_708 = arith.constant 1.000000e+00 : f32
      %add3A_709 = vector.broadcast %add3A_708 : f32 to vector<16xf32>
      %add3A_710 = arith.addf %add3A_709, %exp3A_707 : vector<16xf32>
      %div3A_711 = arith.constant 1.000000e+00 : f32
      %div3A_712 = vector.broadcast %div3A_711 : f32 to vector<16xf32>
      %div3A_713 = arith.divf %div3A_712, %add3A_710 : vector<16xf32>
      %mul3A_714 = arith.constant 5 : i32
      %mul3A_715 = vector.broadcast %mul3A_714 : i32 to vector<16xi32>
      %mul3A_716 = arith.muli %mul3A_715, %add3A_672 : vector<16xi32>
      %jit3A_717 = arith.constant 16 : i32
      %div3A_718 = arith.divsi %add3A_652, %jit3A_717 : i32
      %sign3A_719 = arith.constant 0 : i32
      %sign3A_720 = arith.cmpi sgt, %add3A_652, %sign3A_719 : i32
      %sign3A_721 = arith.extui %sign3A_720 : i1 to i32
      %sign3A_722 = arith.constant 0 : i32
      %sign3A_723 = arith.cmpi slt, %add3A_652, %sign3A_722 : i32
      %sign3A_724 = arith.extui %sign3A_723 : i1 to i32
      %sign3A_725 = arith.subi %sign3A_721, %sign3A_724 : i32
      %sign3A_726 = arith.constant 0 : i32
      %sign3A_727 = arith.cmpi sgt, %jit3A_717, %sign3A_726 : i32
      %sign3A_728 = arith.extui %sign3A_727 : i1 to i32
      %sign3A_729 = arith.constant 0 : i32
      %sign3A_730 = arith.cmpi slt, %jit3A_717, %sign3A_729 : i32
      %sign3A_731 = arith.extui %sign3A_730 : i1 to i32
      %sign3A_732 = arith.subi %sign3A_728, %sign3A_731 : i32
      %ne3A_733 = arith.cmpi ne, %sign3A_725, %sign3A_732 : i32
      %rem3A_734 = arith.remsi %add3A_652, %jit3A_717 : i32
      %ne3A_735 = arith.constant 0 : i32
      %ne3A_736 = arith.cmpi ne, %rem3A_734, %ne3A_735 : i32
      %and3A_737 = arith.andi %ne3A_733, %ne3A_736 : i1
      %sub3A_738 = arith.constant 1 : i32
      %sub3A_739 = arith.subi %div3A_718, %sub3A_738 : i32
      %select_n3A_740 = arith.select %and3A_737, %sub3A_739, %div3A_718 : i32
      %add3A_741 = vector.broadcast %select_n3A_740 : i32 to vector<16xi32>
      %add3A_742 = arith.addi %mul3A_716, %add3A_741 : vector<16xi32>
      %gt3A_743 = arith.cmpf ogt, %div3A_713, %scan3A_451 : vector<16xf32>
      %eq3A_744 = arith.cmpf oeq, %div3A_713, %scan3A_451 : vector<16xf32>
      %lt3A_745 = arith.cmpi slt, %add3A_742, %scan3A_452 : vector<16xi32>
      %and3A_746 = arith.andi %eq3A_744, %lt3A_745 : vector<16xi1>
      %or3A_747 = arith.ori %gt3A_743, %and3A_746 : vector<16xi1>
      %select_n3A_748 = arith.select %or3A_747, %div3A_713, %scan3A_451 : vector<16xi1>, vector<16xf32>
      %select_n3A_749 = arith.select %or3A_747, %add3A_742, %scan3A_452 : vector<16xi1>, vector<16xi32>
      %add3A_750 = arith.constant 60 : i32
      %add3A_751 = arith.addi %scan3A_446, %add3A_750 : i32
      %jit3A_752 = arith.constant 16 : i32
      %eq3A_753 = arith.constant 0 : i32
      %eq3A_754 = arith.cmpi eq, %jit3A_752, %eq3A_753 : i32
      %jit3A_755 = arith.constant 1 : i32
      %select_n3A_756 = arith.select %eq3A_754, %jit3A_755, %jit3A_752 : i32
      %rem3A_757 = arith.remsi %add3A_751, %select_n3A_756 : i32
      %ne3A_758 = arith.constant 0 : i32
      %ne3A_759 = arith.cmpi ne, %rem3A_757, %ne3A_758 : i32
      %lt3A_760 = arith.constant 0 : i32
      %lt3A_761 = arith.cmpi slt, %rem3A_757, %lt3A_760 : i32
      %lt3A_762 = arith.constant 0 : i32
      %lt3A_763 = arith.cmpi slt, %select_n3A_756, %lt3A_762 : i32
      %ne3A_764 = arith.xori %lt3A_761, %lt3A_763 : i1
      %and3A_765 = arith.andi %ne3A_764, %ne3A_759 : i1
      %add3A_766 = arith.addi %rem3A_757, %select_n3A_756 : i32
      %select_n3A_767 = arith.select %and3A_765, %add3A_766, %rem3A_757 : i32
      %mul3A_768 = arith.constant 16 : i32
      %mul3A_769 = arith.muli %mul3A_768, %select_n3A_767 : i32
      %add3A_770 = vector.broadcast %mul3A_769 : i32 to vector<16xi32>
      %add3A_771 = arith.addi %add3A_770, %iota3A : vector<16xi32>
      %jit3A_772 = arith.constant 16 : i32
      %div3A_773 = arith.divsi %add3A_751, %jit3A_772 : i32
      %sign3A_774 = arith.constant 0 : i32
      %sign3A_775 = arith.cmpi sgt, %add3A_751, %sign3A_774 : i32
      %sign3A_776 = arith.extui %sign3A_775 : i1 to i32
      %sign3A_777 = arith.constant 0 : i32
      %sign3A_778 = arith.cmpi slt, %add3A_751, %sign3A_777 : i32
      %sign3A_779 = arith.extui %sign3A_778 : i1 to i32
      %sign3A_780 = arith.subi %sign3A_776, %sign3A_779 : i32
      %sign3A_781 = arith.constant 0 : i32
      %sign3A_782 = arith.cmpi sgt, %jit3A_772, %sign3A_781 : i32
      %sign3A_783 = arith.extui %sign3A_782 : i1 to i32
      %sign3A_784 = arith.constant 0 : i32
      %sign3A_785 = arith.cmpi slt, %jit3A_772, %sign3A_784 : i32
      %sign3A_786 = arith.extui %sign3A_785 : i1 to i32
      %sign3A_787 = arith.subi %sign3A_783, %sign3A_786 : i32
      %ne3A_788 = arith.cmpi ne, %sign3A_780, %sign3A_787 : i32
      %rem3A_789 = arith.remsi %add3A_751, %jit3A_772 : i32
      %ne3A_790 = arith.constant 0 : i32
      %ne3A_791 = arith.cmpi ne, %rem3A_789, %ne3A_790 : i32
      %and3A_792 = arith.andi %ne3A_788, %ne3A_791 : i1
      %sub3A_793 = arith.constant 1 : i32
      %sub3A_794 = arith.subi %div3A_773, %sub3A_793 : i32
      %select_n3A_795 = arith.select %and3A_792, %sub3A_794, %div3A_773 : i32
      %add3A_796 = arith.constant 59 : i32
      %add3A_797 = arith.addi %add3A_796, %select_n3A_795 : i32
      %broadcast_in_dim3A_798 = vector.broadcast %add3A_797 : i32 to vector<16xi32>
      %add3A_799 = arith.constant 256 : i32
      %add3A_800 = vector.broadcast %add3A_799 : i32 to vector<16xi32>
      %add3A_801 = arith.addi %add3A_800, %add3A_771 : vector<16xi32>
      %gather3A_802 = tpu.vector_load_idx %arg4[%add3A_801, %broadcast_in_dim3A_798] : memref<512x128xf32, #tpu.memory_space<vmem>>[vector<16xi32>, vector<16xi32>], vector<16xf32>,
      %neg3A_803 = arith.constant 0.000000e+00 : f32
      %neg3A_804 = vector.broadcast %neg3A_803 : f32 to vector<16xf32>
      %neg3A_805 = arith.subf %neg3A_804, %gather3A_802 : vector<16xf32>
      %exp3A_806 = math.exp %neg3A_805 : vector<16xf32>
      %add3A_807 = arith.constant 1.000000e+00 : f32
      %add3A_808 = vector.broadcast %add3A_807 : f32 to vector<16xf32>
      %add3A_809 = arith.addf %add3A_808, %exp3A_806 : vector<16xf32>
      %div3A_810 = arith.constant 1.000000e+00 : f32
      %div3A_811 = vector.broadcast %div3A_810 : f32 to vector<16xf32>
      %div3A_812 = arith.divf %div3A_811, %add3A_809 : vector<16xf32>
      %mul3A_813 = arith.constant 5 : i32
      %mul3A_814 = vector.broadcast %mul3A_813 : i32 to vector<16xi32>
      %mul3A_815 = arith.muli %mul3A_814, %add3A_771 : vector<16xi32>
      %jit3A_816 = arith.constant 16 : i32
      %div3A_817 = arith.divsi %add3A_751, %jit3A_816 : i32
      %sign3A_818 = arith.constant 0 : i32
      %sign3A_819 = arith.cmpi sgt, %add3A_751, %sign3A_818 : i32
      %sign3A_820 = arith.extui %sign3A_819 : i1 to i32
      %sign3A_821 = arith.constant 0 : i32
      %sign3A_822 = arith.cmpi slt, %add3A_751, %sign3A_821 : i32
      %sign3A_823 = arith.extui %sign3A_822 : i1 to i32
      %sign3A_824 = arith.subi %sign3A_820, %sign3A_823 : i32
      %sign3A_825 = arith.constant 0 : i32
      %sign3A_826 = arith.cmpi sgt, %jit3A_816, %sign3A_825 : i32
      %sign3A_827 = arith.extui %sign3A_826 : i1 to i32
      %sign3A_828 = arith.constant 0 : i32
      %sign3A_829 = arith.cmpi slt, %jit3A_816, %sign3A_828 : i32
      %sign3A_830 = arith.extui %sign3A_829 : i1 to i32
      %sign3A_831 = arith.subi %sign3A_827, %sign3A_830 : i32
      %ne3A_832 = arith.cmpi ne, %sign3A_824, %sign3A_831 : i32
      %rem3A_833 = arith.remsi %add3A_751, %jit3A_816 : i32
      %ne3A_834 = arith.constant 0 : i32
      %ne3A_835 = arith.cmpi ne, %rem3A_833, %ne3A_834 : i32
      %and3A_836 = arith.andi %ne3A_832, %ne3A_835 : i1
      %sub3A_837 = arith.constant 1 : i32
      %sub3A_838 = arith.subi %div3A_817, %sub3A_837 : i32
      %select_n3A_839 = arith.select %and3A_836, %sub3A_838, %div3A_817 : i32
      %add3A_840 = vector.broadcast %select_n3A_839 : i32 to vector<16xi32>
      %add3A_841 = arith.addi %mul3A_815, %add3A_840 : vector<16xi32>
      %gt3A_842 = arith.cmpf ogt, %div3A_812, %scan3A_453 : vector<16xf32>
      %eq3A_843 = arith.cmpf oeq, %div3A_812, %scan3A_453 : vector<16xf32>
      %lt3A_844 = arith.cmpi slt, %add3A_841, %scan3A_454 : vector<16xi32>
      %and3A_845 = arith.andi %eq3A_843, %lt3A_844 : vector<16xi1>
      %or3A_846 = arith.ori %gt3A_842, %and3A_845 : vector<16xi1>
      %select_n3A_847 = arith.select %or3A_846, %div3A_812, %scan3A_453 : vector<16xi1>, vector<16xf32>
      %select_n3A_848 = arith.select %or3A_846, %add3A_841, %scan3A_454 : vector<16xi1>, vector<16xi32>
      scf.yield %select_n3A_550, %select_n3A_551, %select_n3A_649, %select_n3A_650, %select_n3A_748, %select_n3A_749, %select_n3A_847, %select_n3A_848 : vector<16xf32>, vector<16xi32>, vector<16xf32>, vector<16xi32>, vector<16xf32>, vector<16xi32>, vector<16xf32>, vector<16xi32>
    }
    %scan3A_229 = arith.constant 20 : i32
    %gt3A_230 = arith.cmpf ogt, %scan3A_228#2, %scan3A_228#0 : vector<16xf32>
    %eq3A_231 = arith.cmpf oeq, %scan3A_228#2, %scan3A_228#0 : vector<16xf32>
    %lt3A_232 = arith.cmpi slt, %scan3A_228#3, %scan3A_228#1 : vector<16xi32>
    %and3A_233 = arith.andi %eq3A_231, %lt3A_232 : vector<16xi1>
    %or3A_234 = arith.ori %gt3A_230, %and3A_233 : vector<16xi1>
    %select_n3A_235 = arith.select %or3A_234, %scan3A_228#2, %scan3A_228#0 : vector<16xi1>, vector<16xf32>
    %select_n3A_236 = arith.select %or3A_234, %scan3A_228#3, %scan3A_228#1 : vector<16xi1>, vector<16xi32>
    %gt3A_237 = arith.cmpf ogt, %scan3A_228#4, %select_n3A_235 : vector<16xf32>
    %eq3A_238 = arith.cmpf oeq, %scan3A_228#4, %select_n3A_235 : vector<16xf32>
    %lt3A_239 = arith.cmpi slt, %scan3A_228#5, %select_n3A_236 : vector<16xi32>
    %and3A_240 = arith.andi %eq3A_238, %lt3A_239 : vector<16xi1>
    %or3A_241 = arith.ori %gt3A_237, %and3A_240 : vector<16xi1>
    %select_n3A_242 = arith.select %or3A_241, %scan3A_228#4, %select_n3A_235 : vector<16xi1>, vector<16xf32>
    %select_n3A_243 = arith.select %or3A_241, %scan3A_228#5, %select_n3A_236 : vector<16xi1>, vector<16xi32>
    %gt3A_244 = arith.cmpf ogt, %scan3A_228#6, %select_n3A_242 : vector<16xf32>
    %eq3A_245 = arith.cmpf oeq, %scan3A_228#6, %select_n3A_242 : vector<16xf32>
    %lt3A_246 = arith.cmpi slt, %scan3A_228#7, %select_n3A_243 : vector<16xi32>
    %and3A_247 = arith.andi %eq3A_245, %lt3A_246 : vector<16xi1>
    %or3A_248 = arith.ori %gt3A_244, %and3A_247 : vector<16xi1>
    %select_n3A_249 = arith.select %or3A_248, %scan3A_228#6, %select_n3A_242 : vector<16xi1>, vector<16xf32>
    %select_n3A_250 = arith.select %or3A_248, %scan3A_228#7, %select_n3A_243 : vector<16xi1>, vector<16xi32>
    %swap3A_251 = arith.constant 0 : index
    %swap3A_252 = tpu.vector_load %arg8[%swap3A_251] {strides = array<i32>} : memref<16xf32, #tpu.memory_space<vmem>>, vector<16xf32>,
    tpu.vector_store %arg8[%swap3A_251], %select_n3A_249 {strides = array<i32>} : memref<16xf32, #tpu.memory_space<vmem>>, vector<16xf32>,
    %swap3A_253 = arith.constant 0 : index
    %swap3A_254 = tpu.vector_load %arg9[%swap3A_253] {strides = array<i32>} : memref<16xi32, #tpu.memory_space<vmem>>, vector<16xi32>,
    tpu.vector_store %arg9[%swap3A_253], %select_n3A_250 {strides = array<i32>} : memref<16xi32, #tpu.memory_space<vmem>>, vector<16xi32>,
    %xor3A_255 = arith.constant 1 : i32
    %xor3A_256 = vector.broadcast %xor3A_255 : i32 to vector<16xi32>
    %xor3A_257 = arith.xori %iota3A, %xor3A_256 : vector<16xi32>
    %gather3A_258 = tpu.vector_load_idx %arg8[%xor3A_257] : memref<16xf32, #tpu.memory_space<vmem>>[vector<16xi32>], vector<16xf32>,
    %gather3A_259 = tpu.vector_load_idx %arg9[%xor3A_257] : memref<16xi32, #tpu.memory_space<vmem>>[vector<16xi32>], vector<16xi32>,
    %gt3A_260 = arith.cmpf ogt, %gather3A_258, %select_n3A_249 : vector<16xf32>
    %eq3A_261 = arith.cmpf oeq, %gather3A_258, %select_n3A_249 : vector<16xf32>
    %lt3A_262 = arith.cmpi slt, %gather3A_259, %select_n3A_250 : vector<16xi32>
    %and3A_263 = arith.andi %eq3A_261, %lt3A_262 : vector<16xi1>
    %or3A_264 = arith.ori %gt3A_260, %and3A_263 : vector<16xi1>
    %select_n3A_265 = arith.select %or3A_264, %gather3A_258, %select_n3A_249 : vector<16xi1>, vector<16xf32>
    %select_n3A_266 = arith.select %or3A_264, %gather3A_259, %select_n3A_250 : vector<16xi1>, vector<16xi32>
    %swap3A_267 = arith.constant 0 : index
    %swap3A_268 = tpu.vector_load %arg8[%swap3A_267] {strides = array<i32>} : memref<16xf32, #tpu.memory_space<vmem>>, vector<16xf32>,
    tpu.vector_store %arg8[%swap3A_267], %select_n3A_265 {strides = array<i32>} : memref<16xf32, #tpu.memory_space<vmem>>, vector<16xf32>,
    %swap3A_269 = arith.constant 0 : index
    %swap3A_270 = tpu.vector_load %arg9[%swap3A_269] {strides = array<i32>} : memref<16xi32, #tpu.memory_space<vmem>>, vector<16xi32>,
    tpu.vector_store %arg9[%swap3A_269], %select_n3A_266 {strides = array<i32>} : memref<16xi32, #tpu.memory_space<vmem>>, vector<16xi32>,
    %xor3A_271 = arith.constant 2 : i32
    %xor3A_272 = vector.broadcast %xor3A_271 : i32 to vector<16xi32>
    %xor3A_273 = arith.xori %iota3A, %xor3A_272 : vector<16xi32>
    %gather3A_274 = tpu.vector_load_idx %arg8[%xor3A_273] : memref<16xf32, #tpu.memory_space<vmem>>[vector<16xi32>], vector<16xf32>,
    %gather3A_275 = tpu.vector_load_idx %arg9[%xor3A_273] : memref<16xi32, #tpu.memory_space<vmem>>[vector<16xi32>], vector<16xi32>,
    %gt3A_276 = arith.cmpf ogt, %gather3A_274, %select_n3A_265 : vector<16xf32>
    %eq3A_277 = arith.cmpf oeq, %gather3A_274, %select_n3A_265 : vector<16xf32>
    %lt3A_278 = arith.cmpi slt, %gather3A_275, %select_n3A_266 : vector<16xi32>
    %and3A_279 = arith.andi %eq3A_277, %lt3A_278 : vector<16xi1>
    %or3A_280 = arith.ori %gt3A_276, %and3A_279 : vector<16xi1>
    %select_n3A_281 = arith.select %or3A_280, %gather3A_274, %select_n3A_265 : vector<16xi1>, vector<16xf32>
    %select_n3A_282 = arith.select %or3A_280, %gather3A_275, %select_n3A_266 : vector<16xi1>, vector<16xi32>
    %swap3A_283 = arith.constant 0 : index
    %swap3A_284 = tpu.vector_load %arg8[%swap3A_283] {strides = array<i32>} : memref<16xf32, #tpu.memory_space<vmem>>, vector<16xf32>,
    tpu.vector_store %arg8[%swap3A_283], %select_n3A_281 {strides = array<i32>} : memref<16xf32, #tpu.memory_space<vmem>>, vector<16xf32>,
    %swap3A_285 = arith.constant 0 : index
    %swap3A_286 = tpu.vector_load %arg9[%swap3A_285] {strides = array<i32>} : memref<16xi32, #tpu.memory_space<vmem>>, vector<16xi32>,
    tpu.vector_store %arg9[%swap3A_285], %select_n3A_282 {strides = array<i32>} : memref<16xi32, #tpu.memory_space<vmem>>, vector<16xi32>,
    %xor3A_287 = arith.constant 4 : i32
    %xor3A_288 = vector.broadcast %xor3A_287 : i32 to vector<16xi32>
    %xor3A_289 = arith.xori %iota3A, %xor3A_288 : vector<16xi32>
    %gather3A_290 = tpu.vector_load_idx %arg8[%xor3A_289] : memref<16xf32, #tpu.memory_space<vmem>>[vector<16xi32>], vector<16xf32>,
    %gather3A_291 = tpu.vector_load_idx %arg9[%xor3A_289] : memref<16xi32, #tpu.memory_space<vmem>>[vector<16xi32>], vector<16xi32>,
    %gt3A_292 = arith.cmpf ogt, %gather3A_290, %select_n3A_281 : vector<16xf32>
    %eq3A_293 = arith.cmpf oeq, %gather3A_290, %select_n3A_281 : vector<16xf32>
    %lt3A_294 = arith.cmpi slt, %gather3A_291, %select_n3A_282 : vector<16xi32>
    %and3A_295 = arith.andi %eq3A_293, %lt3A_294 : vector<16xi1>
    %or3A_296 = arith.ori %gt3A_292, %and3A_295 : vector<16xi1>
    %select_n3A_297 = arith.select %or3A_296, %gather3A_290, %select_n3A_281 : vector<16xi1>, vector<16xf32>
    %select_n3A_298 = arith.select %or3A_296, %gather3A_291, %select_n3A_282 : vector<16xi1>, vector<16xi32>
    %swap3A_299 = arith.constant 0 : index
    %swap3A_300 = tpu.vector_load %arg8[%swap3A_299] {strides = array<i32>} : memref<16xf32, #tpu.memory_space<vmem>>, vector<16xf32>,
    tpu.vector_store %arg8[%swap3A_299], %select_n3A_297 {strides = array<i32>} : memref<16xf32, #tpu.memory_space<vmem>>, vector<16xf32>,
    %swap3A_301 = arith.constant 0 : index
    %swap3A_302 = tpu.vector_load %arg9[%swap3A_301] {strides = array<i32>} : memref<16xi32, #tpu.memory_space<vmem>>, vector<16xi32>,
    tpu.vector_store %arg9[%swap3A_301], %select_n3A_298 {strides = array<i32>} : memref<16xi32, #tpu.memory_space<vmem>>, vector<16xi32>,
    %xor3A_303 = arith.constant 8 : i32
    %xor3A_304 = vector.broadcast %xor3A_303 : i32 to vector<16xi32>
    %xor3A_305 = arith.xori %iota3A, %xor3A_304 : vector<16xi32>
    %gather3A_306 = tpu.vector_load_idx %arg8[%xor3A_305] : memref<16xf32, #tpu.memory_space<vmem>>[vector<16xi32>], vector<16xf32>,
    %gather3A_307 = tpu.vector_load_idx %arg9[%xor3A_305] : memref<16xi32, #tpu.memory_space<vmem>>[vector<16xi32>], vector<16xi32>,
    %gt3A_308 = arith.cmpf ogt, %gather3A_306, %select_n3A_297 : vector<16xf32>
    %eq3A_309 = arith.cmpf oeq, %gather3A_306, %select_n3A_297 : vector<16xf32>
    %lt3A_310 = arith.cmpi slt, %gather3A_307, %select_n3A_298 : vector<16xi32>
    %and3A_311 = arith.andi %eq3A_309, %lt3A_310 : vector<16xi1>
    %or3A_312 = arith.ori %gt3A_308, %and3A_311 : vector<16xi1>
    %select_n3A_313 = arith.select %or3A_312, %gather3A_306, %select_n3A_297 : vector<16xi1>, vector<16xf32>
    %select_n3A_314 = arith.select %or3A_312, %gather3A_307, %select_n3A_298 : vector<16xi1>, vector<16xi32>
    %slice3A_315 = vector.extract_strided_slice %select_n3A_314 {offsets = [0], sizes = [1], strides = [1]} : vector<16xi32> to vector<1xi32>
    %squeeze3A_316 = vector.extract %slice3A_315[0] : i32 from vector<1xi32>
    %jit3A_317 = arith.constant 5 : i32
    %eq3A_318 = arith.constant 0 : i32
    %eq3A_319 = arith.cmpi eq, %jit3A_317, %eq3A_318 : i32
    %jit3A_320 = arith.constant 1 : i32
    %select_n3A_321 = arith.select %eq3A_319, %jit3A_320, %jit3A_317 : i32
    %rem3A_322 = arith.remsi %squeeze3A_316, %select_n3A_321 : i32
    %ne3A_323 = arith.constant 0 : i32
    %ne3A_324 = arith.cmpi ne, %rem3A_322, %ne3A_323 : i32
    %lt3A_325 = arith.constant 0 : i32
    %lt3A_326 = arith.cmpi slt, %rem3A_322, %lt3A_325 : i32
    %lt3A_327 = arith.constant 0 : i32
    %lt3A_328 = arith.cmpi slt, %select_n3A_321, %lt3A_327 : i32
    %ne3A_329 = arith.xori %lt3A_326, %lt3A_328 : i1
    %and3A_330 = arith.andi %ne3A_329, %ne3A_324 : i1
    %add3A_331 = arith.addi %rem3A_322, %select_n3A_321 : i32
    %select_n3A_332 = arith.select %and3A_330, %add3A_331, %rem3A_322 : i32
    %jit3A_333 = arith.constant 5 : i32
    %div3A_334 = arith.divsi %squeeze3A_316, %jit3A_333 : i32
    %sign3A_335 = arith.constant 0 : i32
    %sign3A_336 = arith.cmpi sgt, %squeeze3A_316, %sign3A_335 : i32
    %sign3A_337 = arith.extui %sign3A_336 : i1 to i32
    %sign3A_338 = arith.constant 0 : i32
    %sign3A_339 = arith.cmpi slt, %squeeze3A_316, %sign3A_338 : i32
    %sign3A_340 = arith.extui %sign3A_339 : i1 to i32
    %sign3A_341 = arith.subi %sign3A_337, %sign3A_340 : i32
    %sign3A_342 = arith.constant 0 : i32
    %sign3A_343 = arith.cmpi sgt, %jit3A_333, %sign3A_342 : i32
    %sign3A_344 = arith.extui %sign3A_343 : i1 to i32
    %sign3A_345 = arith.constant 0 : i32
    %sign3A_346 = arith.cmpi slt, %jit3A_333, %sign3A_345 : i32
    %sign3A_347 = arith.extui %sign3A_346 : i1 to i32
    %sign3A_348 = arith.subi %sign3A_344, %sign3A_347 : i32
    %ne3A_349 = arith.cmpi ne, %sign3A_341, %sign3A_348 : i32
    %rem3A_350 = arith.remsi %squeeze3A_316, %jit3A_333 : i32
    %ne3A_351 = arith.constant 0 : i32
    %ne3A_352 = arith.cmpi ne, %rem3A_350, %ne3A_351 : i32
    %and3A_353 = arith.andi %ne3A_349, %ne3A_352 : i1
    %sub3A_354 = arith.constant 1 : i32
    %sub3A_355 = arith.subi %div3A_334, %sub3A_354 : i32
    %select_n3A_356 = arith.select %and3A_353, %sub3A_355, %div3A_334 : i32
    %jit3A_357 = arith.constant 8 : i32
    %div3A_358 = arith.divsi %select_n3A_356, %jit3A_357 : i32
    %sign3A_359 = arith.constant 0 : i32
    %sign3A_360 = arith.cmpi sgt, %select_n3A_356, %sign3A_359 : i32
    %sign3A_361 = arith.extui %sign3A_360 : i1 to i32
    %sign3A_362 = arith.constant 0 : i32
    %sign3A_363 = arith.cmpi slt, %select_n3A_356, %sign3A_362 : i32
    %sign3A_364 = arith.extui %sign3A_363 : i1 to i32
    %sign3A_365 = arith.subi %sign3A_361, %sign3A_364 : i32
    %sign3A_366 = arith.constant 0 : i32
    %sign3A_367 = arith.cmpi sgt, %jit3A_357, %sign3A_366 : i32
    %sign3A_368 = arith.extui %sign3A_367 : i1 to i32
    %sign3A_369 = arith.constant 0 : i32
    %sign3A_370 = arith.cmpi slt, %jit3A_357, %sign3A_369 : i32
    %sign3A_371 = arith.extui %sign3A_370 : i1 to i32
    %sign3A_372 = arith.subi %sign3A_368, %sign3A_371 : i32
    %ne3A_373 = arith.cmpi ne, %sign3A_365, %sign3A_372 : i32
    %rem3A_374 = arith.remsi %select_n3A_356, %jit3A_357 : i32
    %ne3A_375 = arith.constant 0 : i32
    %ne3A_376 = arith.cmpi ne, %rem3A_374, %ne3A_375 : i32
    %and3A_377 = arith.andi %ne3A_373, %ne3A_376 : i1
    %sub3A_378 = arith.constant 1 : i32
    %sub3A_379 = arith.subi %div3A_358, %sub3A_378 : i32
    %select_n3A_380 = arith.select %and3A_377, %sub3A_379, %div3A_358 : i32
    %mul3A_381 = arith.constant 8 : i32
    %mul3A_382 = arith.muli %select_n3A_380, %mul3A_381 : i32
    %add3A_383 = arith.addi %mul3A_8, %mul3A_382 : i32
    %dma_start3A_384 = arith.constant 256 : i32
    %dma_start3A_385 = tpu.memref_slice %arg2[%add3A_383, %dma_start3A_384] : memref<16384x2705xf32, #tpu.memory_space<hbm>> -> memref<8x2449xf32, #tpu.memory_space<hbm>>
    %dma_start3A_386 = arith.constant 256 : i32
    %dma_start3A_387 = tpu.memref_slice %arg2[%add3A_383, %dma_start3A_386] : memref<16384x2705xf32, #tpu.memory_space<hbm>> -> memref<8x2449xf32, #tpu.memory_space<hbm>>
    tpu.enqueue_dma source(%dma_start3A_387 : memref<8x2449xf32, #tpu.memory_space<hbm>>) target(%arg6 : memref<8x2449xf32, #tpu.memory_space<vmem>>) target_semaphore(%arg13 : memref<!tpu.dma_semaphore, #tpu.memory_space<semaphore_mem>>)
    %dma_wait3A_388 = arith.constant 256 : i32
    %dma_wait3A_389 = tpu.memref_slice %arg2[%add3A_193, %dma_wait3A_388] : memref<16384x2705xf32, #tpu.memory_space<hbm>> -> memref<8x2449xf32, #tpu.memory_space<hbm>>
    %dma_wait3A_390 = arith.constant 256 : i32
    %dma_wait3A_391 = tpu.memref_slice %arg2[%add3A_193, %dma_wait3A_390] : memref<16384x2705xf32, #tpu.memory_space<hbm>> -> memref<8x2449xf32, #tpu.memory_space<hbm>>
    tpu.wait_dma2 semaphore(%arg12 : memref<!tpu.dma_semaphore, #tpu.memory_space<semaphore_mem>>) src(%dma_wait3A_391 : memref<8x2449xf32, #tpu.memory_space<hbm>>) dst(%arg5 : memref<8x2449xf32, #tpu.memory_space<vmem>>)
    %jit3A_392 = arith.constant 8 : i32
    %eq3A_393 = arith.constant 0 : i32
    %eq3A_394 = arith.cmpi eq, %jit3A_392, %eq3A_393 : i32
    %jit3A_395 = arith.constant 1 : i32
    %select_n3A_396 = arith.select %eq3A_394, %jit3A_395, %jit3A_392 : i32
    %rem3A_397 = arith.remsi %select_n3A_166, %select_n3A_396 : i32
    %ne3A_398 = arith.constant 0 : i32
    %ne3A_399 = arith.cmpi ne, %rem3A_397, %ne3A_398 : i32
    %lt3A_400 = arith.constant 0 : i32
    %lt3A_401 = arith.cmpi slt, %rem3A_397, %lt3A_400 : i32
    %lt3A_402 = arith.constant 0 : i32
    %lt3A_403 = arith.cmpi slt, %select_n3A_396, %lt3A_402 : i32
    %ne3A_404 = arith.xori %lt3A_401, %lt3A_403 : i1
    %and3A_405 = arith.andi %ne3A_404, %ne3A_399 : i1
    %add3A_406 = arith.addi %rem3A_397, %select_n3A_396 : i32
    %select_n3A_407 = arith.select %and3A_405, %add3A_406, %rem3A_397 : i32
    %broadcast_in_dim3A_408 = vector.broadcast %select_n3A_407 : i32 to vector<16xi32>
    %scan3A_409 = arith.constant 0 : i32
    %scan3A_410 = arith.constant 0 : i32
    %scan3A_411 = arith.constant 30 : i32
    %scan3A_412 = arith.addi %scan3A_410, %scan3A_411 : i32
    %scan3A_413 = arith.constant 1 : i32
    scf.for %scan3A_446 = %scan3A_410 to %scan3A_412 step %scan3A_413  : i32 {
      %add3A_447 = arith.constant 64 : i32
      %add3A_448 = arith.addi %add3A_447, %select_n3A_145 : i32
      %mul3A_449 = arith.constant 16 : i32
      %mul3A_450 = arith.muli %mul3A_449, %scan3A_446 : i32
      %add3A_451 = vector.broadcast %mul3A_450 : i32 to vector<16xi32>
      %add3A_452 = arith.addi %add3A_451, %iota3A : vector<16xi32>
      %mul3A_453 = arith.constant 5 : i32
      %mul3A_454 = vector.broadcast %mul3A_453 : i32 to vector<16xi32>
      %mul3A_455 = arith.muli %mul3A_454, %add3A_452 : vector<16xi32>
      %add3A_456 = vector.broadcast %add3A_448 : i32 to vector<16xi32>
      %add3A_457 = arith.addi %add3A_456, %mul3A_455 : vector<16xi32>
      %min3A = arith.constant 2448 : i32
      %min3A_458 = vector.broadcast %min3A : i32 to vector<16xi32>
      %min3A_459 = arith.minsi %add3A_457, %min3A_458 : vector<16xi32>
      %gather3A_460 = tpu.vector_load_idx %arg5[%broadcast_in_dim3A_408, %min3A_459] : memref<8x2449xf32, #tpu.memory_space<vmem>>[vector<16xi32>, vector<16xi32>], vector<16xf32>,
      %mul3A_461 = arith.constant 16 : i32
      %mul3A_462 = arith.muli %scan3A_446, %mul3A_461 : i32
      %swap3A_463 = arith.index_cast %mul3A_462 : i32 to index
      %swap3A_464 = tpu.vector_load %arg7[%swap3A_463] {strides = array<i32>} : memref<480xf32, #tpu.memory_space<vmem>>, vector<16xf32>,
      tpu.vector_store %arg7[%swap3A_463], %gather3A_460 {strides = array<i32>} : memref<480xf32, #tpu.memory_space<vmem>>, vector<16xf32>,
    }
    %scan3A_414 = arith.constant 30 : i32
    %add3A_415 = arith.constant 0 : i32
    %add3A_416 = arith.addi %mul3A_2, %add3A_415 : i32
    "tpu.region"() ({
      %run_scoped3A = tpu.sem_alloc : memref<!tpu.dma_semaphore, #tpu.memory_space<semaphore_mem>>
      %dma_start3A_446 = arith.constant 0 : i32
      %dma_start3A_447 = tpu.memref_slice %arg3[%add3A_416, %dma_start3A_446] : memref<64x480xf32, #tpu.memory_space<hbm>> -> memref<1x480xf32, #tpu.memory_space<hbm>>
      %dma_start3A_448 = tpu.memref_squeeze %dma_start3A_447 : memref<1x480xf32, #tpu.memory_space<hbm>> -> memref<480xf32, #tpu.memory_space<hbm>>
      %dma_start3A_449 = arith.constant 0 : i32
      %dma_start3A_450 = tpu.memref_slice %arg3[%add3A_416, %dma_start3A_449] : memref<64x480xf32, #tpu.memory_space<hbm>> -> memref<1x480xf32, #tpu.memory_space<hbm>>
      %dma_start3A_451 = tpu.memref_squeeze %dma_start3A_450 : memref<1x480xf32, #tpu.memory_space<hbm>> -> memref<480xf32, #tpu.memory_space<hbm>>
      tpu.enqueue_dma source(%arg7 : memref<480xf32, #tpu.memory_space<vmem>>) target(%dma_start3A_451 : memref<480xf32, #tpu.memory_space<hbm>>) target_semaphore(%run_scoped3A : memref<!tpu.dma_semaphore, #tpu.memory_space<semaphore_mem>>)
      %dma_wait3A_452 = arith.constant 0 : i32
      %dma_wait3A_453 = tpu.memref_slice %arg3[%add3A_416, %dma_wait3A_452] : memref<64x480xf32, #tpu.memory_space<hbm>> -> memref<1x480xf32, #tpu.memory_space<hbm>>
      %dma_wait3A_454 = tpu.memref_squeeze %dma_wait3A_453 : memref<1x480xf32, #tpu.memory_space<hbm>> -> memref<480xf32, #tpu.memory_space<hbm>>
      %dma_wait3A_455 = arith.constant 0 : i32
      %dma_wait3A_456 = tpu.memref_slice %arg3[%add3A_416, %dma_wait3A_455] : memref<64x480xf32, #tpu.memory_space<hbm>> -> memref<1x480xf32, #tpu.memory_space<hbm>>
      %dma_wait3A_457 = tpu.memref_squeeze %dma_wait3A_456 : memref<1x480xf32, #tpu.memory_space<hbm>> -> memref<480xf32, #tpu.memory_space<hbm>>
      tpu.wait_dma2 semaphore(%run_scoped3A : memref<!tpu.dma_semaphore, #tpu.memory_space<semaphore_mem>>) src(%arg7 : memref<480xf32, #tpu.memory_space<vmem>>) dst(%dma_wait3A_457 : memref<480xf32, #tpu.memory_space<hbm>>)
      tpu.yield
    }) : () -> ()
    %dma_wait3A_417 = arith.constant 256 : i32
    %dma_wait3A_418 = tpu.memref_slice %arg2[%add3A_383, %dma_wait3A_417] : memref<16384x2705xf32, #tpu.memory_space<hbm>> -> memref<8x2449xf32, #tpu.memory_space<hbm>>
    %dma_wait3A_419 = arith.constant 256 : i32
    %dma_wait3A_420 = tpu.memref_slice %arg2[%add3A_383, %dma_wait3A_419] : memref<16384x2705xf32, #tpu.memory_space<hbm>> -> memref<8x2449xf32, #tpu.memory_space<hbm>>
    tpu.wait_dma2 semaphore(%arg13 : memref<!tpu.dma_semaphore, #tpu.memory_space<semaphore_mem>>) src(%dma_wait3A_420 : memref<8x2449xf32, #tpu.memory_space<hbm>>) dst(%arg6 : memref<8x2449xf32, #tpu.memory_space<vmem>>)
    %jit3A_421 = arith.constant 8 : i32
    %eq3A_422 = arith.constant 0 : i32
    %eq3A_423 = arith.cmpi eq, %jit3A_421, %eq3A_422 : i32
    %jit3A_424 = arith.constant 1 : i32
    %select_n3A_425 = arith.select %eq3A_423, %jit3A_424, %jit3A_421 : i32
    %rem3A_426 = arith.remsi %select_n3A_356, %select_n3A_425 : i32
    %ne3A_427 = arith.constant 0 : i32
    %ne3A_428 = arith.cmpi ne, %rem3A_426, %ne3A_427 : i32
    %lt3A_429 = arith.constant 0 : i32
    %lt3A_430 = arith.cmpi slt, %rem3A_426, %lt3A_429 : i32
    %lt3A_431 = arith.constant 0 : i32
    %lt3A_432 = arith.cmpi slt, %select_n3A_425, %lt3A_431 : i32
    %ne3A_433 = arith.xori %lt3A_430, %lt3A_432 : i1
    %and3A_434 = arith.andi %ne3A_433, %ne3A_428 : i1
    %add3A_435 = arith.addi %rem3A_426, %select_n3A_425 : i32
    %select_n3A_436 = arith.select %and3A_434, %add3A_435, %rem3A_426 : i32
    %broadcast_in_dim3A_437 = vector.broadcast %select_n3A_436 : i32 to vector<16xi32>
    %scan3A_438 = arith.constant 0 : i32
    %scan3A_439 = arith.constant 0 : i32
    %scan3A_440 = arith.constant 30 : i32
    %scan3A_441 = arith.addi %scan3A_439, %scan3A_440 : i32
    %scan3A_442 = arith.constant 1 : i32
    scf.for %scan3A_446 = %scan3A_439 to %scan3A_441 step %scan3A_442  : i32 {
      %add3A_447 = arith.constant 64 : i32
      %add3A_448 = arith.addi %add3A_447, %select_n3A_332 : i32
      %mul3A_449 = arith.constant 16 : i32
      %mul3A_450 = arith.muli %mul3A_449, %scan3A_446 : i32
      %add3A_451 = vector.broadcast %mul3A_450 : i32 to vector<16xi32>
      %add3A_452 = arith.addi %add3A_451, %iota3A : vector<16xi32>
      %mul3A_453 = arith.constant 5 : i32
      %mul3A_454 = vector.broadcast %mul3A_453 : i32 to vector<16xi32>
      %mul3A_455 = arith.muli %mul3A_454, %add3A_452 : vector<16xi32>
      %add3A_456 = vector.broadcast %add3A_448 : i32 to vector<16xi32>
      %add3A_457 = arith.addi %add3A_456, %mul3A_455 : vector<16xi32>
      %min3A = arith.constant 2448 : i32
      %min3A_458 = vector.broadcast %min3A : i32 to vector<16xi32>
      %min3A_459 = arith.minsi %add3A_457, %min3A_458 : vector<16xi32>
      %gather3A_460 = tpu.vector_load_idx %arg6[%broadcast_in_dim3A_437, %min3A_459] : memref<8x2449xf32, #tpu.memory_space<vmem>>[vector<16xi32>, vector<16xi32>], vector<16xf32>,
      %mul3A_461 = arith.constant 16 : i32
      %mul3A_462 = arith.muli %scan3A_446, %mul3A_461 : i32
      %swap3A_463 = arith.index_cast %mul3A_462 : i32 to index
      %swap3A_464 = tpu.vector_load %arg7[%swap3A_463] {strides = array<i32>} : memref<480xf32, #tpu.memory_space<vmem>>, vector<16xf32>,
      tpu.vector_store %arg7[%swap3A_463], %gather3A_460 {strides = array<i32>} : memref<480xf32, #tpu.memory_space<vmem>>, vector<16xf32>,
    }
    %scan3A_443 = arith.constant 30 : i32
    %add3A_444 = arith.constant 1 : i32
    %add3A_445 = arith.addi %mul3A_2, %add3A_444 : i32
    "tpu.region"() ({
      %run_scoped3A = tpu.sem_alloc : memref<!tpu.dma_semaphore, #tpu.memory_space<semaphore_mem>>
      %dma_start3A_446 = arith.constant 0 : i32
      %dma_start3A_447 = tpu.memref_slice %arg3[%add3A_445, %dma_start3A_446] : memref<64x480xf32, #tpu.memory_space<hbm>> -> memref<1x480xf32, #tpu.memory_space<hbm>>
      %dma_start3A_448 = tpu.memref_squeeze %dma_start3A_447 : memref<1x480xf32, #tpu.memory_space<hbm>> -> memref<480xf32, #tpu.memory_space<hbm>>
      %dma_start3A_449 = arith.constant 0 : i32
      %dma_start3A_450 = tpu.memref_slice %arg3[%add3A_445, %dma_start3A_449] : memref<64x480xf32, #tpu.memory_space<hbm>> -> memref<1x480xf32, #tpu.memory_space<hbm>>
      %dma_start3A_451 = tpu.memref_squeeze %dma_start3A_450 : memref<1x480xf32, #tpu.memory_space<hbm>> -> memref<480xf32, #tpu.memory_space<hbm>>
      tpu.enqueue_dma source(%arg7 : memref<480xf32, #tpu.memory_space<vmem>>) target(%dma_start3A_451 : memref<480xf32, #tpu.memory_space<hbm>>) target_semaphore(%run_scoped3A : memref<!tpu.dma_semaphore, #tpu.memory_space<semaphore_mem>>)
      %dma_wait3A_452 = arith.constant 0 : i32
      %dma_wait3A_453 = tpu.memref_slice %arg3[%add3A_445, %dma_wait3A_452] : memref<64x480xf32, #tpu.memory_space<hbm>> -> memref<1x480xf32, #tpu.memory_space<hbm>>
      %dma_wait3A_454 = tpu.memref_squeeze %dma_wait3A_453 : memref<1x480xf32, #tpu.memory_space<hbm>> -> memref<480xf32, #tpu.memory_space<hbm>>
      %dma_wait3A_455 = arith.constant 0 : i32
      %dma_wait3A_456 = tpu.memref_slice %arg3[%add3A_445, %dma_wait3A_455] : memref<64x480xf32, #tpu.memory_space<hbm>> -> memref<1x480xf32, #tpu.memory_space<hbm>>
      %dma_wait3A_457 = tpu.memref_squeeze %dma_wait3A_456 : memref<1x480xf32, #tpu.memory_space<hbm>> -> memref<480xf32, #tpu.memory_space<hbm>>
      tpu.wait_dma2 semaphore(%run_scoped3A : memref<!tpu.dma_semaphore, #tpu.memory_space<semaphore_mem>>) src(%arg7 : memref<480xf32, #tpu.memory_space<vmem>>) dst(%dma_wait3A_457 : memref<480xf32, #tpu.memory_space<hbm>>)
      tpu.yield
    }) : () -> ()
    return
  }
}

module attributes {stable_mosaic.version = 14 : i64} {
  func.func @_ce_body(%arg0: memref<64x480xf32, #tpu.memory_space<vmem>>, %arg1: memref<64x1xi32, #tpu.memory_space<vmem>>, %arg2: memref<64x1xi32, #tpu.memory_space<vmem>>, %arg3: memref<3xf32, #tpu.memory_space<smem>>) attributes {dimension_semantics = [], scalar_prefetch = 0 : i64, scratch_operands = 0 : i64, tpu.core_type = #tpu.core_type<tc>} {
    %get3A = arith.constant 0 : index
    %get3A_0 = arith.constant 0 : index
    %get3A_1 = vector.load %arg0[%get3A, %get3A_0] : memref<64x480xf32, #tpu.memory_space<vmem>>, vector<64x480xf32>
    %iota3A = tpu.iota {dimensions = array<i32: 1>} : vector<64x480xi32>
    %lt3A = arith.constant 125 : i32
    %lt3A_2 = vector.broadcast %lt3A : i32 to vector<64x480xi32>
    %lt3A_3 = arith.cmpi slt, %iota3A, %lt3A_2 : vector<64x480xi32>
    %ge3A = arith.constant 125 : i32
    %ge3A_4 = vector.broadcast %ge3A : i32 to vector<64x480xi32>
    %ge3A_5 = arith.cmpi sge, %iota3A, %ge3A_4 : vector<64x480xi32>
    %lt3A_6 = arith.constant 477 : i32
    %lt3A_7 = vector.broadcast %lt3A_6 : i32 to vector<64x480xi32>
    %lt3A_8 = arith.cmpi slt, %iota3A, %lt3A_7 : vector<64x480xi32>
    %and3A = arith.andi %ge3A_5, %lt3A_8 : vector<64x480xi1>
    %jit3A = arith.constant -1.000000e+30 : f32
    %broadcast_in_dim3A = vector.broadcast %jit3A : f32 to vector<64x480xf32>
    %select_n3A = arith.select %lt3A_3, %get3A_1, %broadcast_in_dim3A : vector<64x480xi1>, vector<64x480xf32>
    %jit3A_9 = arith.constant -1.000000e+30 : f32
    %broadcast_in_dim3A_10 = vector.broadcast %jit3A_9 : f32 to vector<64x480xf32>
    %select_n3A_11 = arith.select %and3A, %get3A_1, %broadcast_in_dim3A_10 : vector<64x480xi1>, vector<64x480xf32>
    %reduce_max3A = arith.constant dense<0xFF800000> : vector<64xf32>
    %reduce_max3A_12 = vector.multi_reduction <maximumf>, %select_n3A, %reduce_max3A [1] : vector<64x480xf32> to vector<64xf32>
    %broadcast_in_dim3A_13 = vector.shape_cast %reduce_max3A_12 : vector<64xf32> to vector<64x1xf32>
    %reduce_max3A_14 = arith.constant dense<0xFF800000> : vector<64xf32>
    %reduce_max3A_15 = vector.multi_reduction <maximumf>, %select_n3A_11, %reduce_max3A_14 [1] : vector<64x480xf32> to vector<64xf32>
    %broadcast_in_dim3A_16 = vector.shape_cast %reduce_max3A_15 : vector<64xf32> to vector<64x1xf32>
    %sub3A = vector.broadcast %broadcast_in_dim3A_13 : vector<64x1xf32> to vector<64x480xf32>
    %sub3A_17 = arith.subf %select_n3A, %sub3A : vector<64x480xf32>
    %exp3A = math.exp %sub3A_17 : vector<64x480xf32>
    %jit3A_18 = arith.constant 0.000000e+00 : f32
    %broadcast_in_dim3A_19 = vector.broadcast %jit3A_18 : f32 to vector<64x480xf32>
    %select_n3A_20 = arith.select %lt3A_3, %exp3A, %broadcast_in_dim3A_19 : vector<64x480xi1>, vector<64x480xf32>
    %reduce_sum3A = arith.constant dense<0.000000e+00> : vector<64xf32>
    %reduce_sum3A_21 = vector.multi_reduction <add>, %select_n3A_20, %reduce_sum3A [1] : vector<64x480xf32> to vector<64xf32>
    %broadcast_in_dim3A_22 = vector.shape_cast %reduce_sum3A_21 : vector<64xf32> to vector<64x1xf32>
    %sub3A_23 = vector.broadcast %broadcast_in_dim3A_16 : vector<64x1xf32> to vector<64x480xf32>
    %sub3A_24 = arith.subf %select_n3A_11, %sub3A_23 : vector<64x480xf32>
    %exp3A_25 = math.exp %sub3A_24 : vector<64x480xf32>
    %jit3A_26 = arith.constant 0.000000e+00 : f32
    %broadcast_in_dim3A_27 = vector.broadcast %jit3A_26 : f32 to vector<64x480xf32>
    %select_n3A_28 = arith.select %and3A, %exp3A_25, %broadcast_in_dim3A_27 : vector<64x480xi1>, vector<64x480xf32>
    %reduce_sum3A_29 = arith.constant dense<0.000000e+00> : vector<64xf32>
    %reduce_sum3A_30 = vector.multi_reduction <add>, %select_n3A_28, %reduce_sum3A_29 [1] : vector<64x480xf32> to vector<64xf32>
    %broadcast_in_dim3A_31 = vector.shape_cast %reduce_sum3A_30 : vector<64xf32> to vector<64x1xf32>
    %log3A = math.log %broadcast_in_dim3A_22 : vector<64x1xf32>
    %add3A = arith.addf %broadcast_in_dim3A_13, %log3A : vector<64x1xf32>
    %log3A_32 = math.log %broadcast_in_dim3A_31 : vector<64x1xf32>
    %add3A_33 = arith.addf %broadcast_in_dim3A_16, %log3A_32 : vector<64x1xf32>
    %get3A_34 = arith.constant 0 : index
    %get3A_35 = arith.constant 0 : index
    %get3A_36 = vector.load %arg1[%get3A_34, %get3A_35] : memref<64x1xi32, #tpu.memory_space<vmem>>, vector<64x1xi32>
    %eq3A = vector.broadcast %get3A_36 : vector<64x1xi32> to vector<64x480xi32>
    %eq3A_37 = arith.cmpi eq, %iota3A, %eq3A : vector<64x480xi32>
    %jit3A_38 = arith.constant 0.000000e+00 : f32
    %broadcast_in_dim3A_39 = vector.broadcast %jit3A_38 : f32 to vector<64x480xf32>
    %select_n3A_40 = arith.select %eq3A_37, %get3A_1, %broadcast_in_dim3A_39 : vector<64x480xi1>, vector<64x480xf32>
    %reduce_sum3A_41 = arith.constant dense<0.000000e+00> : vector<64xf32>
    %reduce_sum3A_42 = vector.multi_reduction <add>, %select_n3A_40, %reduce_sum3A_41 [1] : vector<64x480xf32> to vector<64xf32>
    %broadcast_in_dim3A_43 = vector.shape_cast %reduce_sum3A_42 : vector<64xf32> to vector<64x1xf32>
    %get3A_44 = arith.constant 0 : index
    %get3A_45 = arith.constant 0 : index
    %get3A_46 = vector.load %arg2[%get3A_44, %get3A_45] : memref<64x1xi32, #tpu.memory_space<vmem>>, vector<64x1xi32>
    %add3A_47 = arith.constant 125 : i32
    %add3A_48 = vector.broadcast %add3A_47 : i32 to vector<64x1xi32>
    %add3A_49 = arith.addi %get3A_46, %add3A_48 : vector<64x1xi32>
    %eq3A_50 = vector.broadcast %add3A_49 : vector<64x1xi32> to vector<64x480xi32>
    %eq3A_51 = arith.cmpi eq, %iota3A, %eq3A_50 : vector<64x480xi32>
    %jit3A_52 = arith.constant 0.000000e+00 : f32
    %broadcast_in_dim3A_53 = vector.broadcast %jit3A_52 : f32 to vector<64x480xf32>
    %select_n3A_54 = arith.select %eq3A_51, %get3A_1, %broadcast_in_dim3A_53 : vector<64x480xi1>, vector<64x480xf32>
    %reduce_sum3A_55 = arith.constant dense<0.000000e+00> : vector<64xf32>
    %reduce_sum3A_56 = vector.multi_reduction <add>, %select_n3A_54, %reduce_sum3A_55 [1] : vector<64x480xf32> to vector<64xf32>
    %broadcast_in_dim3A_57 = vector.shape_cast %reduce_sum3A_56 : vector<64xf32> to vector<64x1xf32>
    %sub3A_58 = arith.subf %add3A, %broadcast_in_dim3A_43 : vector<64x1xf32>
    %reduce_sum3A_59 = vector.shape_cast %sub3A_58 : vector<64x1xf32> to vector<1x64x1xf32>
    %reduce_sum3A_60 = arith.constant dense<0.000000e+00> : vector<1xf32>
    %reduce_sum3A_61 = vector.multi_reduction <add>, %reduce_sum3A_59, %reduce_sum3A_60 [1, 2] : vector<1x64x1xf32> to vector<1xf32>
    %reduce_sum3A_62 = vector.shape_cast %reduce_sum3A_61 : vector<1xf32> to vector<1x1x1xf32>
    %reduce_sum3A_63 = vector.extract %reduce_sum3A_62[0, 0, 0] : f32 from vector<1x1x1xf32>
    %mul3A = arith.constant 5.000000e-01 : f32
    %mul3A_64 = arith.mulf %reduce_sum3A_63, %mul3A : f32
    %sub3A_65 = arith.subf %add3A_33, %broadcast_in_dim3A_57 : vector<64x1xf32>
    %reduce_sum3A_66 = vector.shape_cast %sub3A_65 : vector<64x1xf32> to vector<1x64x1xf32>
    %reduce_sum3A_67 = arith.constant dense<0.000000e+00> : vector<1xf32>
    %reduce_sum3A_68 = vector.multi_reduction <add>, %reduce_sum3A_66, %reduce_sum3A_67 [1, 2] : vector<1x64x1xf32> to vector<1xf32>
    %reduce_sum3A_69 = vector.shape_cast %reduce_sum3A_68 : vector<1xf32> to vector<1x1x1xf32>
    %reduce_sum3A_70 = vector.extract %reduce_sum3A_69[0, 0, 0] : f32 from vector<1x1x1xf32>
    %mul3A_71 = arith.constant 5.000000e-01 : f32
    %mul3A_72 = arith.mulf %reduce_sum3A_70, %mul3A_71 : f32
    %add3A_73 = arith.addf %mul3A_64, %mul3A_72 : f32
    %swap3A = arith.constant 0 : index
    %swap3A_74 = memref.load %arg3[%swap3A] : memref<3xf32, #tpu.memory_space<smem>>
    memref.store %add3A_73, %arg3[%swap3A] : memref<3xf32, #tpu.memory_space<smem>>
    %swap3A_75 = arith.constant 1 : index
    %swap3A_76 = memref.load %arg3[%swap3A_75] : memref<3xf32, #tpu.memory_space<smem>>
    memref.store %mul3A_64, %arg3[%swap3A_75] : memref<3xf32, #tpu.memory_space<smem>>
    %swap3A_77 = arith.constant 2 : index
    %swap3A_78 = memref.load %arg3[%swap3A_77] : memref<3xf32, #tpu.memory_space<smem>>
    memref.store %mul3A_72, %arg3[%swap3A_77] : memref<3xf32, #tpu.memory_space<smem>>
    return
  }
}

</mosaic_0001>

<sc_bundles>
// kernel: kernel.4.cloned.1.call-start
scs
__scs_entry_jumppad:
0x0: {  	(pc) =	sbr.rel $0x88, $3  }
0x1: {  	(tag) =	ssettag $0x0;
	lr =	simm.s32 $0x1  }
0x2: {  	[smem:$0x3F9E] =	sst lr;
	_ =	strace $0xD0000000  }
0x3: {  	_ = 	snop  }
0x4: {  	_ = 	snop  }
0x5: {  	_ = 	snop  }
0x6: {  	_ = 	snop  }
0x7: {  	_ = 	snop  }
__scs_overlays_trampoline_lowered:
0x8: {  	[smem:$0x3FAD] =	sst s0  }
0x9: {  	[smem:$0x3FAE] =	sst s1  }
0xa: {  	[smem:$0x3FAF] =	sst s2  }
0xb: {  	[smem:$0x3FB0] =	sst s3  }
0xc: {  	[smem:$0x3FB1] =	sst s4  }
0xd: {  	[smem:$0x3FB2] =	sst s5  }
0xe: {  	[smem:$0x3FB3] =	sst s6  }
0xf: {  	[smem:$0x3FB4] =	sst s7  }
0x10: {  	[smem:$0x3FB5] =	sst s8  }
0x11: {  	[smem:$0x3FB6] =	sst s9;
	s0 =	simm.s32 @!p0 $0x0  }
0x12: {  	s1 =	sld [smem:$0x3F9C];
	s0 =	simm.s32 @p0 $0x1  }
0x13: {  	[smem:$0x3FB7] =	sst s0;
	s0 =	simm.s32 @!p1 $0x0  }
0x14: {  	s2 =	sld [smem:$0x3F9B];
	s0 =	simm.s32 @p1 $0x1  }
0x15: {  	[smem:$0x3FB8] =	sst s0;
	s0 =	simm.s32 @!p2 $0x0  }
0x16: {  	s3 =	sld [smem:$0x3FDB];
	s0 =	simm.s32 @p2 $0x1  }
0x17: {  	s4 =	simm.s32 $0x1BF5;
	[smem:$0x3FBA] =	sst s0  }
0x18: {  	s0 =	sld [smem:$0x3F9D];
	_ =	swait.ge [sflag:s4], $0x0  }
0x19: {  	s7 =	sld [smem:$0x3F9E]  }
0x1a: {  	s8 =	sadd.s32 $0xFFFFE003, lr  }
0x1b: {  	s9 =	sadd.s32 $0xFFFFFEF7, lr;
	s5 =	simm.s32 $0xFFFFFFFF;
	p2 =	slt.u32 s8, $0xFFFFF086  }
0x1c: {  	p1 =	slt.u32 s9, $0xF7A;
	s5 =	simm.s32 @!p2 $0x0  }
0x1d: {  	s5 =	simm.s32 @p1 $0x1;
	p0 =	seq.s32 s7, s2  }
0x1e: {  	s7 =	smul.u32 @!p0 $0xF7A, s2;
	p2 =	seq.s32 @!p0 s5, $0x0  }
0x1f: {  	s9 =	smul.u32 $0xF7A, s1;
	s8 =	simm.s32 @!p0 $0x1BF5;
	p2 =	por !p2, p0  }
0x20: {  	[sflag:s8] =	ssyncset.s32 @!p0 $0xFFFFF086;
	s6 =	sadd.s32 @!p0 s3, s7;
	s7 =	simm.s32 @!p0 $0x108  }
0x21: {  	s3 =	sadd.s32 s3, s9;
	s6 =	sadd.s32 @!p0 $0x88, s6;
	s7 =	simm.s32 @p2 $0x1082  }
0x22: {  	[simem:s7], [sflag:s8] =	dma.local @!p0 [hbm:s6], $0xF7A  }
0x23: {  	s9 =	sor.u32 $0xD0000000, s2;
	s6 =	simm.s32 $0x108;
	_ =	swait.ge @!p0 [sflag:s8], $0x0  }
0x24: {  	s3 =	sadd.s32 $0x88, s3;
	s6 =	simm.s32 @!p1 $0x1082;
	[sflag:s4] =	ssyncset.s32 $0xFFFFF086  }
0x25: {  	[simem:s6], [sflag:s4] =	dma.local [hbm:s3], $0xF7A  }
0x26: {  	[smem:$0x3F9E] =	sst s1;
	(tag) =	ssettag s2;
	_ =	strace s9  }
0x27: {  	s1 =	sld [smem:$0x3FAE]  }
0x28: {  	s2 =	sld [smem:$0x3FAF]  }
0x29: {  	s4 =	sld [smem:$0x3FB1]  }
0x2a: {  	p0 =	seq.s32 s5, $0x0;
	s5 =	sld [smem:$0x3FB2]  }
0x2b: {  	s6 =	sld [smem:$0x3FB3]  }
0x2c: {  	s7 =	sld [smem:$0x3FB4]  }
0x2d: {  	s3 =	simm.s32 $0x108;
	s8 =	sld [smem:$0x3FB5]  }
0x2e: {  	s3 =	simm.s32 @!p0 $0x1082;
	s9 =	sld [smem:$0x3FB6]  }
0x2f: {  	lr =	sadd.s32 s0, s3;
	s0 =	sld [smem:$0x3FAD]  }
0x30: {  	s3 =	sld [smem:$0x3FB0]  }
0x31: {  	[smem:$0x3FB9] =	sst s10  }
0x32: {  	s10 =	sld [smem:$0x3FB7];
	_ =	sdelay $0x3  }
0x33: {  	p0 =	seq.s32 s10, $0x1;
	s10 =	sld [smem:$0x3FB9];
	_ =	sdelay $0x3  }
0x34: {  	[smem:$0x3FB9] =	sst s10  }
0x35: {  	s10 =	sld [smem:$0x3FB8];
	_ =	sdelay $0x3  }
0x36: {  	p1 =	seq.s32 s10, $0x1;
	s10 =	sld [smem:$0x3FB9];
	_ =	sdelay $0x3  }
0x37: {  	[smem:$0x3FB9] =	sst s10  }
0x38: {  	s10 =	sld [smem:$0x3FBA]  }
0x39: {  	_ = 	snop;
	(pc) =	sbr.ind lr, $3  }
0x3a: {  	_ = 	snop  }
0x3b: {  	_ = 	snop  }
0x3c: {  	p2 =	seq.s32 s10, $0x1;
	s10 =	sld [smem:$0x3FB9]  }
0x3d: {  	_ =	shalt  }
0x3e: {  	_ =	shalt  }
0x3f: {  	_ =	shalt  }
0x40: {  	_ =	shalt  }
0x41: {  	_ =	shalt  }
0x42: {  	_ =	shalt  }
0x43: {  	_ =	shalt  }
0x44: {  	_ =	shalt  }
0x45: {  	_ =	shalt  }
0x46: {  	_ =	shalt  }
0x47: {  	_ =	shalt  }
0x48: {  	_ =	shalt  }
0x49: {  	_ =	shalt  }
0x4a: {  	_ =	shalt  }
0x4b: {  	_ =	shalt  }
0x4c: {  	_ =	shalt  }
0x4d: {  	_ =	shalt  }
0x4e: {  	_ =	shalt  }
0x4f: {  	_ =	shalt  }
0x50: {  	_ =	shalt  }
0x51: {  	_ =	shalt  }
0x52: {  	_ =	shalt  }
0x53: {  	_ =	shalt  }
0x54: {  	_ =	shalt  }
0x55: {  	_ =	shalt  }
0x56: {  	_ =	shalt  }
0x57: {  	_ =	shalt  }
0x58: {  	_ =	shalt  }
0x59: {  	_ =	shalt  }
0x5a: {  	_ =	shalt  }
0x5b: {  	_ =	shalt  }
0x5c: {  	_ =	shalt  }
0x5d: {  	_ =	shalt  }
0x5e: {  	_ =	shalt  }
0x5f: {  	_ =	shalt  }
0x60: {  	_ =	shalt  }
0x61: {  	_ =	shalt  }
0x62: {  	_ =	shalt  }
0x63: {  	_ =	shalt  }
0x64: {  	_ =	shalt  }
0x65: {  	_ =	shalt  }
0x66: {  	_ =	shalt  }
0x67: {  	_ =	shalt  }
0x68: {  	_ =	shalt  }
0x69: {  	_ =	shalt  }
0x6a: {  	_ =	shalt  }
0x6b: {  	_ =	shalt  }
0x6c: {  	_ =	shalt  }
0x6d: {  	_ =	shalt  }
0x6e: {  	_ =	shalt  }
0x6f: {  	_ =	shalt  }
0x70: {  	_ =	shalt  }
0x71: {  	_ =	shalt  }
0x72: {  	_ =	shalt  }
0x73: {  	_ =	shalt  }
0x74: {  	_ =	shalt  }
0x75: {  	_ =	shalt  }
0x76: {  	_ =	shalt  }
0x77: {  	_ =	shalt  }
0x78: {  	_ =	shalt  }
0x79: {  	_ =	shalt  }
0x7a: {  	_ =	shalt  }
0x7b: {  	_ =	shalt  }
0x7c: {  	_ =	shalt  }
0x7d: {  	_ =	shalt  }
0x7e: {  	_ =	shalt  }
0x7f: {  	_ =	shalt  }
0x80: {  	_ =	shalt  }
0x81: {  	_ =	shalt  }
0x82: {  	_ =	shalt  }
0x83: {  	_ =	shalt  }
0x84: {  	_ =	shalt  }
0x85: {  	_ =	shalt  }
0x86: {  	_ =	shalt  }
0x87: {  	_ =	shalt  }
.Lfunc_end0:
.L_simem_size_0:
called_computation_lowered:
.L_overlay_start_0:
0x88: {  	s2 =	sld [smem:$0x3FD9]  }
0x89: {  	s3 =	sld [smem:$0x3FFE];
	_ =	sdelay $0x1  }
0x8a: {  	s1 =	srdreg.scid  }
0x8b: {  	s0 =	sand.u32 $0x1, s1  }
0x8c: {  	s17 =	sshll.u32 s0, $0xA;
	s2 =	sadd.s32 s3, s2  }
0x8d: {  	s2 =	sadd.s32 s2, s17  }
0x8e: {  	[smem:$0x3FC5] =	sst s2  }
0x8f: {  	_ = 	snop  }
0x90: {  	s2 =	sld [smem:$0x3FC9];
	(tm) =	ssettm $0x1  }
0x91: {  	s18 =	sld [smem:$0x3FFB];
	_ =	sdelay $0x3  }
0x92: {  	_ =	strace s18  }
0x93: {  	s3 =	sld [smem:$0x3FFC];
	_ =	sdelay $0x3  }
0x94: {  	_ =	strace s3  }
0x95: {  	s3 =	sld [smem:$0x3FFD];
	_ =	sdelay $0x3  }
0x96: {  	_ =	strace s3  }
0x97: {  	_ =	strace $0x8FFFFFFF  }
0x98: {  	s19 =	sld [smem:$0x3FDB];
	_ =	sdelay $0x1  }
0x99: {  	s4 =	simm.s32 $_scs_section_size  }
0x9a: {  	s5 =	simm.s32 $_size__tile_overlayer_lowered;
	s6 =	simm.s32 $_tile_overlayer_lowered  }
0x9b: {  	s22 =	simm.s32 $0x1BFF;
	s21 =	sshll.u32 s6, $0x1;
	s3 =	sadd.s32 s4, s19  }
0x9c: {  	s7 =	simm.s32 $0x0;
	s20 =	sshll.u32 s5, $0x1;
	s5 =	sadd.s32 s21, s3  }
0x9d: {  	[timem:s7], [sflag:s22] =	dma.local [hbm:s5], s20  }
0x9e: {  	_ =	swait.ge [sflag:s22], s20  }
0x9f: {  	s4 =	ssub.s32 $0x0, s20;
	[sflag:s22] =	ssyncset.done $0x0  }
0xa0: {  	[sflag:s22] =	ssyncadd.s32 s4;
	_ =	sdelay $0x1  }
0xa1: {  	s23 =	simm.s32 $0x1B8B  }
0xa2: {  	_ =	swait.ge [sflag:s23], $0x1  }
0xa3: {  	[sflag:s23] =	ssyncset.done $0x0  }
0xa4: {  	s25 =	simm.s32 $0x1B8E;
	s24 =	sld [smem:$0x3FFE];
	[sflag:s23] =	ssyncadd.s32 $0xFFFFFFFF  }
0xa5: {  	s26 =	simm.s32 $execute0_lowered;
	[smem:$0x3FD2] =	sst s25  }
0xa6: {  	s5 =	sshll.u32 s26, $0x1;
	_ =	strace $0x80000046;
	[dreg:$0x1] =	wrdreg $0xFFFFFFFF  }
0xa7: {  	s28 =	simm.s32 $_size_execute0_lowered;
	s3 =	sadd.s32 s3, s5;
	[dreg:$0x0] =	wrdreg $0x0  }
0xa8: {  	s5 =	sshll.u32 s28, $0x1;
	[dreg:$0x2] =	wrdreg s3  }
0xa9: {  	[dreg:$0x3] =	wrdreg s5  }
0xaa: {  	[dreg:$0x4] =	wrdreg $0xC0  }
0xab: {  	_ =	task [dreg:s7], $0x5FFFF  }
0xac: {  	[dreg:$0x1] =	wrdreg $0xFFFFFFFF  }
0xad: {  	[dreg:$0x0] =	wrdreg $0x60  }
0xae: {  	[dreg:$0x2] =	wrdreg s2  }
0xaf: {  	[dreg:$0x3] =	wrdreg s24  }
0xb0: {  	[dreg:$0x4] =	wrdreg $0x9  }
0xb1: {  	_ =	task.clear_ibuf [dreg:s7], $0x5FFFF;
	_ =	strace $0x90000046  }
0xb2: {  	s29 =	simm.s32 $0x9;
	_ =	strace $0x80000048  }
0xb3: {  	_ =	swait.ge [sflag:s29], $0x1  }
0xb4: {  	[sflag:s29] =	ssyncadd.s32 $0xFFFFFFFF  }
0xb5: {  	_ =	strace $0x90000048  }
0xb6: {  	_ =	sfence  }
0xb7: {  	s30 =	sld [smem:$0x0];
	_ =	sdelay $0x2  }
0xb8: {  	s31 =	sshll.u32 s1, $0xD;
	s1 =	sshrl.u32 s1, $0x2  }
0xb9: {  	s3 =	sand.u32 $0x4000, s31;
	s1 =	sadd.s32 s1, s30  }
0xba: {  	s0 =	sor.u32 s3, s0;
	s1 =	sshll.u32 s1, $0x11  }
0xbb: {  	s0 =	sor.u32 s1, s0  }
0xbc: {  	s0 =	sadd.s32 $0x8F2B, s0  }
0xbd: {  	[sflag:s0] =	ssyncadd.remote.s32 $0x1  }
0xbe: {  	_ =	sfence.sel $0xFFFF  }
0xbf: {  	[dreg:$0x0] =	wrdreg $0xFFFFFFFF;
	(pc) =	sbr.abs _section_cstart, $3  }
0xc0: {  	[dreg:$0x1] =	wrdreg $0xFFFFFFFF  }
0xc1: {  	_ =	task.clear_ibuf [dreg:s7], $0x2FFFF;
	_ =	strace $0x9FFFFFFF  }
0xc2: {  	(tm) =	ssettm $0x7FFFFFFF  }
0xc3: {  	_ =	shalt  }
tec
execute0_lowered:
.L_overlay_start_1:
0x0: {  	(tag) =	ssettag $0x1  }
0x1: {  	s12 =	rddreg [dreg:$0x0]  }
0x2: {  	s0 =	rddreg [dreg:$0x1];
	s2 =	srdreg.scid  }
0x3: {  	s3 =	simm.s32 $0x0;
	s1 =	stileid.u32;
	s14 =	simm.s32 $0x1  }
0x4: {  	s15 =	simm.s32 $0x1A200;
	s16 =	simm.s32 $0x1A280;
	s17 =	simm.s32 $0x10000  }
0x5: {  	s18 =	simm.s32 $0x2;
	s19 =	simm.s32 $0x15000;
	s20 =	simm.s32 $0x3  }
0x6: {  	v0 =	vimm.s32 $0xEFCDAB89;
	v1 =	vimm.s32 $0x67452301;
	v2 =	vimm.s32 $0xDCFE98BA;
	s21 =	simm.s32 $0x80;
	s22 =	simm.s32 $0x5;
	s23 =	simm.s32 $0x4  }
0x7: {  	v3 =	vimm.s32 $0x54761032;
	v4 =	vimm.s32 $0xBA98FEDC;
	s2 =	sand.u32 $0x1, s2;
	[smem:$0x7FF] =	sst s3;
	s0 =	sadd.s32 $0xC00, s0  }
0x8: {  	v5 =	vimm.s32 $0x32107654;
	v6 =	vimm.s32 $0xFEDCBA98;
	v7 =	vimm.s32 $0x76543210;
	s9 =	sadd.s32 $0x100, s12;
	s28 =	sshll.u32 s1, $0x8;
	s4 =	sshll.u32 s2, $0x4  }
0x9: {  	v0 =	vunpack.c.l.s4.s8 v0;
	v2 =	vunpack.c.l.s4.s8 v2;
	v3 =	vunpack.c.l.s4.s8 v3;
	_ =	strace $0x80000047;
	s2 =	ssub.s32 $0x2, s2;
	s6 =	sor.u32 s1, s4  }
0xa: {  	v1 =	vunpack.c.l.s4.s8 v1;
	v4 =	vunpack.c.l.s4.s8 v4;
	v5 =	vunpack.c.l.s4.s8 v5;
	s8 =	sshrl.u32 s2, $0x1;
	s7 =	sshllo.u32 s6, $0x1;
	s4 =	smul.u32 $0x2C000, s6  }
0xb: {  	v6 =	vunpack.c.l.s4.s8 v6;
	v2 =	vunpack.c.0.s8.s32 v2;
	v3 =	vunpack.c.0.s8.s32 v3;
	s2 =	ssub.s32 s2, s8;
	s26 =	sshll.u32 s6, $0xA;
	s30 =	sshll.u32 s6, $0x6  }
0xc: {  	v0 =	vunpack.c.0.s8.s32 v0;
	v4 =	vunpack.c.0.s8.s32 v4;
	v5 =	vunpack.c.0.s8.s32 v5;
	s5 =	smul.u32 $0x16000, s7;
	s10 =	sshll.u32 s7, $0x7;
	s11 =	sand.u32 $0x7000, s26  }
0xd: {  	v1 =	vunpack.c.0.s8.s32 v1;
	s8 =	sor.u32 s28, s26;
	[dreg:$0x5] =	wrdreg s30;
	s31 =	sshll.u32 s7, $0x5;
	v2 =	vcombine.low v3, v2;
	v3 =	vunpack.c.l.s4.s8 v7  }
0xe: {  	v4 =	vcombine.low v5, v4;
	v5 =	vunpack.c.0.s8.s32 v6;
	s4 =	sadd.s32 s4, s9;
	s29 =	sand.u32 $0x380, s10;
	[dreg:$0x6] =	wrdreg s31  }
0xf: {  	v1 =	vcombine.low v1, v0;
	v0 =	vlaneseq.u32;
	s8 =	sand.u32 $0x7300, s8;
	s10 =	smax.u32 s2, $0x1;
	[dreg:$0x3] =	wrdreg s4;
	v6 =	vunpack.c.0.s8.s32 v3  }
0x10: {  	v7 =	vmul.u32 $0x80, v0;
	s25 =	sadd.s32 s5, s9;
	s9 =	sor.u32 s11, s29;
	s8 =	sshrl.u32 s8, $0x3;
	v3 =	vand.u32 $0xF, v4;
	v4 =	vand.u32 $0xF, v5  }
0x11: {  	s11 =	simm.s32 $0x400;
	[dreg:$0x4] =	wrdreg s25;
	s9 =	sshrl.u32 s9, $0x3;
	v4 =	vcombine.low v4, v6;
	v6 =	vmul.u32 $0x5, v0  }
0x12: {  	v1 =	vand.u32 $0xF, v1;
	v2 =	vand.u32 $0xF, v2;
	s8 =	sadd.s32 s0, s8;
	v5 =	vor.u32 $0x8000, v7;
	s25 =	simm.s32 $0x0;
	s9 =	sadd.s32 s0, s9  }
.LBB2_1:
0x13: {  	s0 =	simm.s32 $0x3D  }
0x14: {  	s2 =	simm.s32 $0x280;
	v7 =	vmov s0  }
0x15: {  	s1 =	rddreg [dreg:$0x3];
	s0 =	sand.u32 $0xF0, s2;
	v7 =	vand.u32 $0x7F, v7  }
0x16: {  	s6 =	simm.s32 $0x3B;
	s7 =	simm.s32 $0x0;
	s2 =	simm.s32 $0x5800;
	v9 =	vor.u32 s0, v0;
	v7 =	vbroadcast v7, $0x0  }
0x17: {  	[tilespmem:s3], [sflag:$0x1] =	stream.strided.gather [hbm4b:s1+s11], $0x8000, s2, s11, $0x38;
	v8 =	vshll.u32 v9, $0x7;
	[tilespmem:$0x1A300] =	vst v63  }
0x18: {  	s4 =	rddreg [dreg:$0x4];
	s5 =	simm.s32 $0x8000;
	s13 =	sand.u32 $0xF0, s7;
	v7 =	vor.u32 v7, v8;
	v8 =	vmov s6  }
0x19: {  	[tilespmem:s5], [sflag:$0x2] =	stream.strided.gather [hbm4b:s4+s11], $0x8000, s2, s11, $0x38;
	v8 =	vand.u32 $0x7F, v8;
	[tilespmem:$0x1A300] =	vst v63  }
0x1a: {  	s24 =	simm.s32 $0x3C;
	v10 =	vor.u32 s13, v0;
	_ =	swait.ge [sflag:s14], $0x8000;
	v8 =	vbroadcast v8, $0x0  }
0x1b: {  	s26 =	simm.s32 $0x140;
	v12 =	vmov s24;
	v11 =	vshll.u32 v10, $0x7;
	[sflag:s14] =	ssyncset.done $0x0  }
0x1c: {  	s30 =	sand.u32 $0xF0, s26;
	[sflag:s14] =	ssyncadd.s32 $0xFFFF8000;
	v8 =	vor.u32 v8, v11;
	v11 =	vand.u32 $0x7F, v12  }
0x1d: {  	v12 =	vor.u32 s30, v0;
	v7 =	vld.idx.msk [tilespmem:v7+s3+$0x0], $0xffff;
	v11 =	vbroadcast v11, $0x0  }
0x1e: {  	v13 =	vshll.u32 v12, $0x7  }
0x1f: {  	v11 =	vor.u32 v11, v13;
	_ =	sdelay $0x2  }
0x20: {  	s31 =	simm.s32 $0x3E;
	v7 =	vsub.f32 $0.0e+00, v7  }
0x21: {  	s1 =	simm.s32 $0x3C0;
	v13 =	vmov s31;
	v8 =	vld.idx.msk [tilespmem:v8+s3+$0x0], $0xffff  }
0x22: {  	s4 =	sand.u32 $0xF0, s1;
	v13 =	vand.u32 $0x7F, v13;
	v7 =	vmul.f32 $1.442695020e+00, v7;
	v11 =	vld.idx.msk [tilespmem:v11+s3+$0x0], $0xffff  }
0x23: {  	v14 =	vor.u32 s4, v0;
	v13 =	vbroadcast v13, $0x0  }
0x24: {  	s13 =	simm.s32 $0x3B;
	v15 =	vshll.u32 v14, $0x7;
	(erf) = vpow2.f32 v7  }
0x25: {  	v16 =	vmov s13;
	s6 =	simm.s32 $0x10;
	v13 =	vor.u32 v13, v15  }
0x26: {  	v16 =	vand.u32 $0x7F, v16;
	s7 =	sand.u32 $0xF0, s6;
	v7 =	vsub.f32 $0.0e+00, v8  }
0x27: {  	v16 =	vbroadcast v16, $0x0;
	v17 =	vor.u32 s7, v0;
	v11 =	vsub.f32 $0.0e+00, v11  }
0x28: {  	v20 =	vshll.u32 v17, $0x7;
	v15 =	vmul.f32 $1.442695020e+00, v7  }
0x29: {  	s5 =	simm.s32 $0x3D;
	v16 =	vor.u32 v16, v20;
	v11 =	vmul.f32 $1.442695020e+00, v11  }
0x2a: {  	s24 =	simm.s32 $0x290;
	v13 =	vld.idx.msk [tilespmem:v13+s3+$0x0], $0xffff;
	(erf) = vpow2.f32 v15;
	v15 =	vmov s5  }
0x2b: {  	s26 =	sand.u32 $0xF0, s24;
	v15 =	vand.u32 $0x7F, v15  }
0x2c: {  	v18 =	vor.u32 s26, v0;
	v10 =	vmul.u32 $0x5, v10;
	v15 =	vbroadcast v15, $0x0  }
0x2d: {  	v19 =	vshll.u32 v18, $0x7;
	s4 =	simm.s32 $0x3D0;
	v14 =	vmul.u32 $0x5, v14;
	(erf) = vpow2.f32 v11;
	v11 =	vpop (erf)  }
0x2e: {  	s6 =	sand.u32 $0xF0, s4;
	s7 =	simm.s32 $0x150;
	v17 =	vmul.u32 $0x5, v17;
	v16 =	vld.idx.msk [tilespmem:v16+s3+$0x0], $0xffff;
	v15 =	vor.u32 v15, v19;
	v11 =	vadd.f32 $1.000000000e+00, v11  }
0x2f: {  	s13 =	sand.u32 $0xF0, s7;
	v20 =	vor.u32 s6, v0;
	v12 =	vmul.u32 $0x5, v12;
	v13 =	vsub.f32 $0.0e+00, v13  }
0x30: {  	s1 =	simm.s32 $0x3E;
	s30 =	simm.s32 $0x1;
	v21 =	vor.u32 s13, v0;
	(erf) = vrcp.f32 v11;
	v11 =	vmul.u32 $0x5, v9  }
0x31: {  	s5 =	simm.s32 $0x3C;
	v9 =	vadd.s32 s30, v12;
	v12 =	vmul.f32 $1.442695020e+00, v13;
	v13 =	vmov s1  }
0x32: {  	v22 =	vshll.u32 v20, $0x7;
	v19 =	vmov s5;
	v13 =	vand.u32 $0x7F, v13  }
0x33: {  	s31 =	simm.s32 $0x0;
	v16 =	vsub.f32 $0.0e+00, v16;
	v15 =	vld.idx.msk [tilespmem:v15+s3+$0x0], $0xffff;
	(erf) = vpow2.f32 v12;
	v13 =	vbroadcast v13, $0x0  }
0x34: {  	v23 =	vshll.u32 v21, $0x7;
	v10 =	vadd.s32 s31, v10;
	v8 =	vimm.f32 $-1.000000000e+00  }
0x35: {  	s24 =	simm.s32 $0x2;
	v7 =	vimm.s32 $0x0;
	v25 =	vmul.f32 $1.442695020e+00, v16;
	v12 =	vand.u32 $0x7F, v19;
	v19 =	vpop (erf)  }
0x36: {  	v12 =	vbroadcast v12, $0x0;
	v24 =	vadd.f32 $1.000000000e+00, v19;
	v19 =	vadd.s32 s24, v11  }
0x37: {  	v11 =	vmul.u32 $0x5, v21;
	v22 =	vor.u32 v13, v22;
	vm0 =	vlt.s32 v19, v7;
	v13 =	vpop (erf)  }
0x38: {  	v26 =	vor.u32 v12, v23;
	v15 =	vsub.f32 $0.0e+00, v15;
	v13 =	vadd.f32 $1.000000000e+00, v13  }
0x39: {  	s31 =	simm.s32 $0x3;
	v12 =	vmul.u32 $0x5, v18;
	(erf) = vrcp.f32 v24;
	v23 =	vmul.u32 $0x5, v20  }
0x3a: {  	s26 =	simm.s32 $0x1;
	v20 =	vadd.s32 s31, v14;
	v15 =	vmul.f32 $1.442695020e+00, v15;
	(erf) = vrcp.f32 v13;
	v18 =	vpop (erf)  }
0x3b: {  	v14 =	vimm.f32 $-1.000000000e+00;
	v13 =	vadd.s32 s26, v11;
	vm2 =	veq.f32 v18, v8  }
0x3c: {  	v24 =	vld.idx.msk [tilespmem:v22+s3+$0x0], $0xffff;
	vm1 =	vgt.f32 v18, v8;
	(erf) = vpow2.f32 v15;
	vm0 =	vmand vm0, vm2;
	v21 =	vpop (erf)  }
0x3d: {  	s30 =	simm.s32 $0x0;
	v15 =	vimm.s32 $0x0;
	v26 =	vld.idx.msk [tilespmem:v26+s3+$0x0], $0xffff;
	vm0 =	vmor vm1, vm0;
	v16 =	vadd.f32 $1.000000000e+00, v21  }
0x3e: {  	s28 =	simm.s32 $0x2;
	v21 =	vadd.s32 s30, v17;
	v17 =	vimm.s32 $0x0;
	v11 =	vsel vm0, v18, v8  }
0x3f: {  	s29 =	simm.s32 $0x3E0;
	s2 =	simm.s32 $0x3E;
	s26 =	simm.s32 $0x3;
	v18 =	vimm.s32 $0x0;
	(erf) = vrcp.f32 v16;
	v16 =	vimm.f32 $-1.000000000e+00  }
.LBB2_2:
0x40: {  	s24 =	sadd.s32 $0xFFFFFFC4, s2  }
0x41: {  	s0 =	sadd.s32 $0xFFFFFFD8, s2;
	s13 =	sadd.s32 $0xFFFFFFEC, s2;
	v24 =	vsub.f32 $0.0e+00, v24;
	(erf) = vpow2.f32 v25;
	vm1 =	vlt.s32 v20, v7;
	v22 =	vmovc v23;
	s30 =	smov.u32 s2  }
0x42: {  	v23 =	vsub.f32 $0.0e+00, v26;
	vm4 =	vlt.s32 v10, v17;
	vm2 =	vlt.s32 v9, v15;
	s0 =	sshrl.u32 s0, $0x4;
	s13 =	sshrl.u32 s13, $0x4;
	s30 =	sand.u32 $0xF0, s29;
	v25 =	vpop (erf)  }
0x43: {  	s31 =	sshrl.u32 s24, $0x4;
	s24 =	sadd.s32 $0x3B, s13;
	v27 =	vor.u32 s30, v0;
	s30 =	sshrl.u32 s2, $0x4;
	v24 =	vmul.f32 $1.442695020e+00, v24;
	vm5 =	vgt.f32 v25, v8;
	v26 =	vpop (erf)  }
0x44: {  	s1 =	sadd.s32 $0xFFFFFC40, s29;
	s5 =	sadd.s32 $0xFFFFFD80, s29;
	s4 =	sadd.s32 $0x3B, s31;
	v23 =	vmul.f32 $1.442695020e+00, v23;
	v28 =	vmov s24;
	vm3 =	vgt.f32 v26, v16  }
0x45: {  	s1 =	sand.u32 $0xF0, s1;
	vm6 =	veq.f32 v25, v8;
	v29 =	vmov s4;
	s4 =	sand.u32 $0xF0, s5;
	s24 =	sadd.s32 $0x1, s2;
	v28 =	vand.u32 $0x7F, v28  }
0x46: {  	p0 =	sne.s32 s2, $0x4F;
	v30 =	vor.u32 s1, v0;
	vm4 =	vmand vm4, vm6;
	v29 =	vand.u32 $0x7F, v29  }
0x47: {  	s1 =	sadd.s32 $0xFFFFFEC0, s29;
	v31 =	vshll.u32 v30, $0x7;
	s2 =	sadd.s32 $0x3B, s30;
	vm4 =	vmor vm5, vm4;
	v28 =	vbroadcast v28, $0x0  }
0x48: {  	s1 =	sand.u32 $0xF0, s1;
	v32 =	vor.u32 s4, v0;
	s4 =	sadd.s32 $0x3B, s0;
	v33 =	vmov s2;
	(erf) = vpow2.f32 v23;
	v23 =	vpop (erf)  }
0x49: {  	v35 =	vor.u32 s1, v0;
	v34 =	vmov s4;
	v8 =	vsel vm4, v25, v8;
	v25 =	vpop (erf)  }
0x4a: {  	v29 =	vbroadcast v29, $0x0;
	v36 =	vshll.u32 v35, $0x7;
	v23 =	vadd.f32 $1.000000000e+00, v23;
	v37 =	vpop (erf)  }
0x4b: {  	v18 =	vsel vm0, v19, v18;
	v17 =	vsel vm4, v10, v17;
	v10 =	vmovc v21;
	v28 =	vor.u32 v28, v36  }
0x4c: {  	v21 =	vand.u32 $0x7F, v34;
	v19 =	vor.u32 v29, v31;
	(erf) = vrcp.f32 v23  }
0x4d: {  	v29 =	vand.u32 $0x7F, v33;
	vm0 =	veq.f32 v25, v14;
	v23 =	vshll.u32 v32, $0x7  }
0x4e: {  	vm4 =	veq.f32 v26, v16;
	v29 =	vbroadcast v29, $0x0;
	vm5 =	vgt.f32 v25, v14  }
0x4f: {  	vm2 =	vmand vm2, vm4;
	v31 =	vshll.u32 v27, $0x7;
	(erf) = vpow2.f32 v24  }
0x50: {  	v21 =	vbroadcast v21, $0x0;
	vm2 =	vmor vm3, vm2;
	v24 =	vld.idx.msk [tilespmem:v28+s3+$0x0], $0xffff;
	v28 =	vor.u32 v29, v31  }
0x51: {  	v16 =	vsel vm2, v26, v16;
	v15 =	vsel vm2, v9, v15;
	vm0 =	vmand vm1, vm0;
	v29 =	vld.idx.msk [tilespmem:v19+s3+$0x0], $0xffff;
	v19 =	vpop (erf)  }
0x52: {  	v9 =	vmovc v13;
	v26 =	vadd.f32 $1.000000000e+00, v37;
	vm0 =	vmor vm5, vm0;
	v21 =	vor.u32 v21, v23  }
0x53: {  	v14 =	vsel vm0, v25, v14;
	v7 =	vsel vm0, v20, v7;
	v13 =	vadd.f32 $1.000000000e+00, v19  }
0x54: {  	v19 =	vadd.s32 s28, v12;
	v12 =	vmul.u32 $0x5, v35;
	s28 =	smov.u32 s13;
	(erf) = vrcp.f32 v26  }
0x55: {  	v20 =	vmul.u32 $0x5, v32;
	vm0 =	vlt.s32 v19, v18;
	(erf) = vrcp.f32 v13;
	v23 =	vpop (erf)  }
0x56: {  	v25 =	vsub.f32 $0.0e+00, v24;
	v24 =	vld.idx.msk [tilespmem:v28+s3+$0x0], $0xffff;
	vm1 =	vgt.f32 v23, v11;
	vm2 =	veq.f32 v23, v11  }
.Ltmp0:
0x57: {  	v13 =	vadd.s32 s0, v20;
	v28 =	vsub.f32 $0.0e+00, v29;
	v26 =	vld.idx.msk [tilespmem:v21+s3+$0x0], $0xffff;
	vm0 =	vmand vm0, vm2;
	(pc) =	sbr.rel @p0 .LBB2_2-.Ltmp0, $4  }
0x58: {  	v20 =	vmul.u32 $0x5, v30;
	v29 =	vmul.f32 $1.442695020e+00, v25;
	vm0 =	vmor vm1, vm0;
	v21 =	vpop (erf)  }
0x59: {  	v25 =	vmul.f32 $1.442695020e+00, v28;
	v11 =	vsel vm0, v23, v11;
	v28 =	vadd.f32 $1.000000000e+00, v21  }
0x5a: {  	v21 =	vadd.s32 s31, v20;
	v23 =	vmul.u32 $0x5, v27;
	(erf) = vpow2.f32 v29  }
0x5b: {  	s29 =	sadd.s32 $0x10, s29;
	s2 =	smov.u32 s24;
	v20 =	vadd.s32 s26, v22;
	s26 =	smov.u32 s30;
	(erf) = vrcp.f32 v28  }
0x5c: {  	v22 =	vsub.f32 $0.0e+00, v26;
	_ =	sdelay $0x1  }
0x5d: {  	v22 =	vmul.f32 $1.442695020e+00, v22;
	_ =	sdelay $0x1  }
0x5e: {  	(erf) = vpow2.f32 v25  }
0x5f: {  	v25 =	vpop (erf);
	(erf) = vpow2.f32 v22  }
0x60: {  	v24 =	vsub.f32 $0.0e+00, v24;
	v22 =	vpop (erf)  }
0x61: {  	v26 =	vpop (erf)  }
0x62: {  	v24 =	vmul.f32 $1.442695020e+00, v24;
	v26 =	vadd.f32 $1.000000000e+00, v26;
	_ =	sdelay $0x1  }
0x63: {  	(erf) = vrcp.f32 v26  }
0x64: {  	(erf) = vpow2.f32 v24  }
0x65: {  	v24 =	vpop (erf)  }
0x66: {  	v26 =	vpop (erf)  }
0x67: {  	v27 =	vpop (erf);
	v26 =	vadd.f32 $1.000000000e+00, v26  }
0x68: {  	vm2 =	vlt.s32 v10, v17;
	vm4 =	veq.f32 v25, v8;
	v27 =	vadd.f32 $1.000000000e+00, v27  }
0x69: {  	vm5 =	vgt.f32 v25, v8;
	vm2 =	vmand vm2, vm4;
	(erf) = vrcp.f32 v26  }
0x6a: {  	vm1 =	vlt.s32 v20, v7;
	vm2 =	vmor vm5, vm2;
	(erf) = vrcp.f32 v27  }
0x6b: {  	vm3 =	vlt.s32 v9, v15;
	v8 =	vsel vm2, v25, v8;
	vm5 =	veq.f32 v22, v16  }
0x6c: {  	v10 =	vsel vm2, v10, v17;
	vm4 =	vgt.f32 v22, v16;
	vm2 =	vmand vm3, vm5;
	v17 =	vpop (erf)  }
0x6d: {  	v18 =	vsel vm0, v19, v18;
	v12 =	vadd.s32 s28, v12;
	vm2 =	vmor vm4, vm2;
	v19 =	vpop (erf)  }
0x6e: {  	v16 =	vsel vm2, v22, v16;
	vm0 =	veq.f32 v24, v14;
	v19 =	vadd.f32 $1.000000000e+00, v19  }
0x6f: {  	v9 =	vsel vm2, v9, v15;
	vm3 =	vgt.f32 v24, v14;
	vm0 =	vmand vm1, vm0  }
0x70: {  	vm1 =	vlt.s32 v12, v18;
	vm0 =	vmor vm3, vm0;
	(erf) = vrcp.f32 v19  }
0x71: {  	v14 =	vsel vm0, v24, v14;
	v7 =	vsel vm0, v20, v7;
	vm2 =	veq.f32 v17, v11  }
0x72: {  	vm3 =	vgt.f32 v17, v11;
	vm1 =	vmand vm1, vm2;
	vm2 =	vlt.s32 v13, v9;
	v15 =	vpop (erf)  }
0x73: {  	vm0 =	vmor vm3, vm1;
	vm1 =	vlt.s32 v21, v10;
	v19 =	vpop (erf);
	vm3 =	veq.f32 v15, v8  }
0x74: {  	vm4 =	vgt.f32 v15, v8;
	vm1 =	vmand vm1, vm3;
	vm3 =	veq.f32 v19, v16  }
0x75: {  	vm5 =	vgt.f32 v19, v16;
	vm1 =	vmor vm4, vm1;
	vm2 =	vmand vm2, vm3  }
0x76: {  	v11 =	vsel vm0, v17, v11;
	v8 =	vsel vm1, v15, v8;
	vm2 =	vmor vm5, vm2  }
0x77: {  	v10 =	vsel vm1, v21, v10;
	v15 =	vsel vm2, v19, v16;
	v9 =	vsel vm2, v13, v9  }
0x78: {  	v12 =	vsel vm0, v12, v18;
	vm1 =	veq.f32 v15, v8;
	vm2 =	vlt.s32 v9, v10  }
0x79: {  	v13 =	vadd.s32 s26, v23;
	vm4 =	vgt.f32 v15, v8;
	vm1 =	vmand vm1, vm2;
	v16 =	vpop (erf)  }
0x7a: {  	vm3 =	vlt.s32 v13, v7;
	vm1 =	vmor vm4, vm1;
	vm0 =	veq.f32 v16, v14  }
0x7b: {  	vm2 =	vgt.f32 v16, v14;
	v8 =	vsel vm1, v15, v8;
	v9 =	vsel vm1, v9, v10  }
0x7c: {  	vm0 =	vmand vm3, vm0;
	vm1 =	veq.f32 v11, v8;
	vm3 =	vlt.s32 v12, v9  }
0x7d: {  	vm0 =	vmor vm2, vm0;
	vm2 =	vgt.f32 v11, v8;
	vm1 =	vmand vm1, vm3  }
0x7e: {  	v10 =	vsel vm0, v16, v14;
	vm1 =	vmor vm2, vm1  }
0x7f: {  	v7 =	vsel vm0, v13, v7;
	v8 =	vsel vm1, v11, v8;
	v9 =	vsel vm1, v12, v9  }
0x80: {  	vm0 =	veq.f32 v10, v8;
	vm1 =	vlt.s32 v7, v9  }
0x81: {  	vm2 =	vgt.f32 v10, v8;
	vm0 =	vmand vm0, vm1  }
0x82: {  	vm0 =	vmor vm2, vm0  }
0x83: {  	v8 =	vsel vm0, v10, v8  }
0x84: {  	v7 =	vsel vm0, v7, v9;
	[tilespmem:$0x1A200] =	vst v8  }
0x85: {  	[tilespmem:$0x1A280] =	vst v7  }
0x86: {  	v9 =	vld.idx.msk [tilespmem:v1+s15+$0x0], $0xffff  }
0x87: {  	v10 =	vld.idx.msk [tilespmem:v1+s16+$0x0], $0xffff;
	_ =	sdelay $0x4  }
0x88: {  	vm0 =	veq.f32 v9, v8;
	vm1 =	vlt.s32 v10, v7  }
0x89: {  	vm2 =	vgt.f32 v9, v8;
	vm0 =	vmand vm0, vm1  }
0x8a: {  	vm0 =	vmor vm2, vm0  }
0x8b: {  	v8 =	vsel vm0, v9, v8  }
0x8c: {  	v7 =	vsel vm0, v10, v7;
	[tilespmem:$0x1A200] =	vst v8  }
0x8d: {  	[tilespmem:$0x1A280] =	vst v7  }
0x8e: {  	v9 =	vld.idx.msk [tilespmem:v2+s15+$0x0], $0xffff  }
0x8f: {  	v10 =	vld.idx.msk [tilespmem:v2+s16+$0x0], $0xffff;
	_ =	sdelay $0x4  }
0x90: {  	vm0 =	veq.f32 v9, v8;
	vm1 =	vlt.s32 v10, v7  }
0x91: {  	vm2 =	vgt.f32 v9, v8;
	vm0 =	vmand vm0, vm1  }
0x92: {  	vm0 =	vmor vm2, vm0  }
0x93: {  	v8 =	vsel vm0, v9, v8  }
0x94: {  	v7 =	vsel vm0, v10, v7;
	[tilespmem:$0x1A200] =	vst v8  }
0x95: {  	[tilespmem:$0x1A280] =	vst v7  }
0x96: {  	v9 =	vld.idx.msk [tilespmem:v3+s15+$0x0], $0xffff  }
0x97: {  	v10 =	vld.idx.msk [tilespmem:v3+s16+$0x0], $0xffff;
	_ =	sdelay $0x4  }
0x98: {  	vm0 =	veq.f32 v9, v8;
	vm1 =	vlt.s32 v10, v7  }
0x99: {  	vm2 =	vgt.f32 v9, v8;
	vm0 =	vmand vm0, vm1  }
0x9a: {  	vm0 =	vmor vm2, vm0  }
0x9b: {  	v8 =	vsel vm0, v9, v8  }
0x9c: {  	v7 =	vsel vm0, v10, v7;
	[tilespmem:$0x1A200] =	vst v8  }
0x9d: {  	[tilespmem:$0x1A280] =	vst v7  }
0x9e: {  	v9 =	vld.idx.msk [tilespmem:v4+s15+$0x0], $0xffff  }
0x9f: {  	v10 =	vld.idx.msk [tilespmem:v4+s16+$0x0], $0xffff;
	_ =	sdelay $0x4  }
0xa0: {  	vm0 =	veq.f32 v9, v8;
	vm1 =	vlt.s32 v10, v7  }
0xa1: {  	vm2 =	vgt.f32 v9, v8;
	vm0 =	vmand vm0, vm1  }
0xa2: {  	vm0 =	vmor vm2, vm0  }
0xa3: {  	v7 =	vsel vm0, v10, v7  }
0xa4: {  	(v2sf) =	vpush v7, $0x0;
	_ =	sdelay $0xe  }
0xa5: {  	s0 =	spop (v2sf)  }
0xa6: {  	s1 =	smulhi.u32 $0x66666667, s0;
	s2 =	sshra.s32 s0, $0x1F  }
0xa7: {  	s2 =	smul.u32 $0x66666667, s2;
	_ =	sdelay $0x1  }
0xa8: {  	s1 =	sadd.s32 s2, s1  }
0xa9: {  	s2 =	sshrl.u32 s1, $0x1F;
	s1 =	sshra.s32 s1, $0x1  }
0xaa: {  	s1 =	sadd.s32 s2, s1  }
0xab: {  	s2 =	smul.u32 $0xFFFFFFFB, s1;
	_ =	sdelay $0x1  }
0xac: {  	s28 =	sadd.s32 s0, s2  }
0xad: {  	p1 =	slt.s32 s0, $0x1;
	p0 =	sne.s32 s28, $0x0  }
0xae: {  	p0 =	por !p1, !p0  }
0xaf: {  	s0 =	simm.s32 $0x1;
	p0 =	por !p0, !p0  }
0xb0: {  	s0 =	simm.s32 @!p0 $0x0  }
0xb1: {  	s26 =	ssub.s32 s1, s0  }
0xb2: {  	s0 =	sshra.s32 s26, $0x1F  }
0xb3: {  	s0 =	sshrl.u32 s0, $0x1D  }
0xb4: {  	s0 =	sadd.s32 s0, s26  }
0xb5: {  	s6 =	sand.u32 $0xFFFFFFF8, s0  }
0xb6: {  	p5 =	slt.s32 s26, $0x1;
	p6 =	sne.s32 s26, s6  }
0xb7: {  	s7 =	rddreg [dreg:$0x5];
	p0 =	por !p5, !p6  }
0xb8: {  	s1 =	simm.s32 $0x1;
	s0 =	sshrl.u32 s0, $0x3;
	p0 =	por !p0, !p0  }
0xb9: {  	s24 =	simm.s32 $0x140;
	s0 =	sadd.s32 s7, s0;
	s1 =	simm.s32 @!p0 $0x0  }
0xba: {  	s4 =	simm.s32 $0x3C;
	s5 =	simm.s32 $0x3E;
	s0 =	ssub.s32 s0, s1  }
0xbb: {  	s13 =	simm.s32 $0x3C0;
	v8 =	vmov s5;
	v7 =	vmov s4;
	s2 =	sand.u32 $0xF0, s24;
	s0 =	smul.u32 $0x5800, s0  }
0xbc: {  	v8 =	vand.u32 $0x7F, v8;
	v7 =	vand.u32 $0x7F, v7;
	v11 =	vmov s2;
	s1 =	sand.u32 $0xF0, s13  }
0xbd: {  	v7 =	vbroadcast v7, $0x0;
	v10 =	vshll.u32 v11, $0x7;
	v9 =	vmov s1;
	s0 =	sadd.s32 $0x800, s0  }
0xbe: {  	v8 =	vbroadcast v8, $0x0;
	v10 =	vor.u32 v5, v10;
	v12 =	vshll.u32 v9, $0x7;
	s0 =	sshrl.u32 s0, $0x3  }
0xbf: {  	v7 =	vor.u32 v7, v10;
	s7 =	smov.u32 s12;
	v10 =	vor.u32 v5, v12;
	s0 =	sadd.s32 s12, s0  }
0xc0: {  	v8 =	vor.u32 v8, v10;
	[tilespmem:s17], [sflag:$0x3] =	stream.linear.gather [hbm4b:s0+s3], $0x5000, $0x38;
	[tilespmem:$0x1A300] =	vst v63  }
0xc1: {  	s6 =	simm.s32 $0x0;
	s12 =	simm.s32 $0x3B;
	_ =	swait.ge [sflag:s18], $0x8000  }
0xc2: {  	v12 =	vmov s12;
	s0 =	sand.u32 $0xF0, s6;
	[sflag:s18] =	ssyncset.done $0x0  }
0xc3: {  	v10 =	vand.u32 $0x7F, v12;
	v12 =	vmov s0;
	[sflag:s18] =	ssyncadd.s32 $0xFFFF8000  }
0xc4: {  	v10 =	vbroadcast v10, $0x0;
	v13 =	vshll.u32 v12, $0x7;
	v7 =	vld.idx.msk [tilespmem:v7+s3+$0x0], $0xffff  }
0xc5: {  	s24 =	simm.s32 $0x3D;
	s13 =	simm.s32 $0x280;
	v13 =	vor.u32 v5, v13;
	v8 =	vld.idx.msk [tilespmem:v8+s3+$0x0], $0xffff  }
0xc6: {  	v15 =	vmov s24;
	s24 =	simm.s32 $0x3B;
	s0 =	sand.u32 $0xF0, s13;
	s13 =	simm.s32 $0x10;
	v10 =	vor.u32 v10, v13  }
0xc7: {  	v18 =	vmov s24;
	v16 =	vmov s0;
	s0 =	sand.u32 $0xF0, s13  }
0xc8: {  	v18 =	vand.u32 $0x7F, v18;
	v19 =	vmov s0  }
0xc9: {  	v18 =	vbroadcast v18, $0x0;
	v21 =	vshll.u32 v19, $0x7;
	v13 =	vsub.f32 $0.0e+00, v7  }
0xca: {  	v21 =	vor.u32 v5, v21;
	v14 =	vsub.f32 $0.0e+00, v8  }
0xcb: {  	v18 =	vor.u32 v18, v21;
	v10 =	vld.idx.msk [tilespmem:v10+s3+$0x0], $0xffff;
	v13 =	vmul.f32 $1.442695020e+00, v13  }
0xcc: {  	v15 =	vand.u32 $0x7F, v15;
	v14 =	vmul.f32 $1.442695020e+00, v14  }
0xcd: {  	v11 =	vmul.u32 $0x5, v11;
	v12 =	vmul.u32 $0x5, v12;
	(erf) = vpow2.f32 v13  }
0xce: {  	v13 =	vbroadcast v15, $0x0;
	(erf) = vpow2.f32 v14;
	v14 =	vshll.u32 v16, $0x7  }
0xcf: {  	s1 =	simm.s32 $0x0;
	v9 =	vmul.u32 $0x5, v9;
	v15 =	vmul.u32 $0x5, v16;
	v14 =	vor.u32 v5, v14  }
0xd0: {  	s4 =	simm.s32 $0x3;
	s2 =	simm.s32 $0x2;
	s12 =	simm.s32 $0x3C;
	v12 =	vadd.s32 s1, v12;
	v18 =	vld.idx.msk [tilespmem:v18+s3+$0x0], $0xffff;
	v10 =	vsub.f32 $0.0e+00, v10;
	v13 =	vor.u32 v13, v14  }
0xd1: {  	v14 =	vadd.s32 s2, v15;
	v15 =	vadd.s32 s4, v9;
	v9 =	vmov s12  }
0xd2: {  	s6 =	simm.s32 $0x150;
	v19 =	vmul.u32 $0x5, v19;
	v10 =	vmul.f32 $1.442695020e+00, v10;
	v9 =	vand.u32 $0x7F, v9  }
0xd3: {  	v12 =	vbroadcast v12, $0x0;
	v8 =	vimm.f32 $-1.000000000e+00;
	s2 =	sand.u32 $0xF0, s6;
	v9 =	vbroadcast v9, $0x0  }
0xd4: {  	s5 =	simm.s32 $0x3D0;
	v7 =	vimm.s32 $0x0;
	(erf) = vpow2.f32 v10;
	v10 =	vmov s2  }
0xd5: {  	s1 =	sand.u32 $0xF0, s5;
	v18 =	vsub.f32 $0.0e+00, v18;
	v16 =	vbroadcast v14, $0x0;
	v17 =	vshll.u32 v10, $0x7  }
0xd6: {  	s6 =	simm.s32 $0x0;
	v14 =	vmov s1;
	v15 =	vbroadcast v15, $0x0;
	s2 =	simm.s32 $0x3E;
	v17 =	vor.u32 v5, v17;
	v20 =	vpop (erf)  }
0xd7: {  	s12 =	simm.s32 $0x1;
	v19 =	vadd.s32 s6, v19;
	v22 =	vmov s2;
	v17 =	vor.u32 v9, v17;
	v9 =	vpop (erf)  }
0xd8: {  	v11 =	vadd.s32 s12, v11;
	v13 =	vld.idx.msk [tilespmem:v13+s3+$0x0], $0xffff;
	v23 =	vadd.f32 $1.000000000e+00, v9;
	v9 =	vand.u32 $0x7F, v22  }
0xd9: {  	v21 =	vshll.u32 v14, $0x7;
	v14 =	vmul.u32 $0x5, v14;
	v22 =	vbroadcast v9, $0x0  }
0xda: {  	v20 =	vadd.f32 $1.000000000e+00, v20;
	v9 =	vadd.s32 v6, v12;
	v12 =	vor.u32 v5, v21  }
0xdb: {  	s5 =	simm.s32 $0x3D;
	s4 =	simm.s32 $0x290;
	v11 =	vbroadcast v11, $0x0;
	(erf) = vrcp.f32 v23;
	v12 =	vor.u32 v22, v12  }
0xdc: {  	s0 =	sand.u32 $0xF0, s4;
	v27 =	vmul.f32 $1.442695020e+00, v18;
	v17 =	vld.idx.msk [tilespmem:v17+s3+$0x0], $0xffff;
	(erf) = vrcp.f32 v20;
	v20 =	vmov s5  }
0xdd: {  	v21 =	vmov s0;
	v13 =	vsub.f32 $0.0e+00, v13;
	v20 =	vand.u32 $0x7F, v20  }
0xde: {  	v18 =	vimm.s32 $0x0;
	v24 =	vshll.u32 v21, $0x7;
	v23 =	vbroadcast v20, $0x0  }
0xdf: {  	s13 =	simm.s32 $0x3;
	v22 =	vbroadcast v19, $0x0;
	v19 =	vor.u32 v5, v24;
	v13 =	vmul.f32 $1.442695020e+00, v13  }
0xe0: {  	v20 =	vadd.s32 s13, v14;
	v14 =	vmul.u32 $0x5, v21;
	v19 =	vor.u32 v23, v19;
	v12 =	vld.idx.msk [tilespmem:v12+s3+$0x0], $0xffff  }
0xe1: {  	s24 =	simm.s32 $0x2;
	v26 =	vadd.s32 v6, v15;
	v21 =	vpop (erf);
	(erf) = vpow2.f32 v13;
	v17 =	vsub.f32 $0.0e+00, v17  }
0xe2: {  	v23 =	vadd.s32 s24, v14;
	v14 =	vadd.s32 v6, v11;
	v11 =	vadd.f32 $1.000000000e+00, v21  }
0xe3: {  	v15 =	vimm.f32 $-1.000000000e+00;
	vm4 =	vlt.s32 v26, v7;
	v17 =	vmul.f32 $1.442695020e+00, v17  }
0xe4: {  	vm0 =	vlt.s32 v9, v7;
	vm2 =	vlt.s32 v14, v7;
	(erf) = vrcp.f32 v11;
	v24 =	vpop (erf)  }
0xe5: {  	v25 =	vbroadcast v23, $0x0;
	v13 =	vpop (erf);
	(erf) = vpow2.f32 v17;
	v28 =	vld.idx.msk [tilespmem:v19+s3+$0x0], $0xffff;
	v12 =	vsub.f32 $0.0e+00, v12  }
0xe6: {  	v17 =	vimm.f32 $-1.000000000e+00;
	v19 =	vimm.s32 $0x0;
	vm3 =	veq.f32 v13, v8  }
0xe7: {  	vm2 =	vmand vm2, vm3;
	vm3 =	veq.f32 v24, v8;
	v11 =	vmul.f32 $1.442695020e+00, v12  }
0xe8: {  	vm1 =	vgt.f32 v13, v8;
	v12 =	vadd.s32 v6, v16;
	vm3 =	vmand vm4, vm3  }
0xe9: {  	s29 =	simm.s32 $0x1;
	s30 =	simm.s32 $0x3E;
	s31 =	simm.s32 $0x3E0;
	v16 =	vimm.f32 $-1.000000000e+00;
	(erf) = vpow2.f32 v11;
	v11 =	vimm.s32 $0x0  }
.LBB2_4:
0xea: {  	s0 =	sadd.s32 $0xFFFFFFD8, s30;
	s1 =	sadd.s32 $0xFFFFFFEC, s30;
	s4 =	sadd.s32 $0xFFFFFEC0, s31;
	v29 =	vadd.s32 v6, v22;
	v22 =	vsub.f32 $0.0e+00, v28;
	vm1 =	vmor vm1, vm2;
	v28 =	vpop (erf)  }
0xeb: {  	s13 =	sshrl.u32 s30, $0x4;
	v30 =	vmul.u32 $0x5, v10;
	v23 =	vbroadcast v20, $0x0;
	vm2 =	vgt.f32 v24, v8;
	v21 =	vmovc v25;
	s2 =	sshrl.u32 s0, $0x4;
	s0 =	sshrl.u32 s1, $0x4  }
0xec: {  	s24 =	sand.u32 $0xF0, s31;
	s1 =	sadd.s32 $0xFFFFFD80, s31;
	vm2 =	vmor vm2, vm3;
	s5 =	sadd.s32 $0x3B, s2;
	v25 =	vmul.f32 $1.442695020e+00, v22;
	(erf) = vpow2.f32 v27  }
0xed: {  	s1 =	sand.u32 $0xF0, s1;
	v22 =	vmov s24;
	s24 =	sadd.s32 $0x3B, s13;
	v8 =	vsel vm2, v24, v8;
	v20 =	vmov s5;
	s5 =	sadd.s32 $0x3B, s0  }
0xee: {  	s6 =	sadd.s32 $0xFFFFFFC4, s30;
	s12 =	sadd.s32 $0xFFFFFC40, s31;
	v7 =	vsel vm2, v26, v7;
	v10 =	vmov s1;
	s1 =	sand.u32 $0xF0, s4;
	v20 =	vand.u32 $0x7F, v20  }
0xef: {  	p0 =	sne.s32 s30, $0x4F;
	s30 =	sadd.s32 $0x1, s30;
	v26 =	vadd.f32 $1.000000000e+00, v28;
	s4 =	sshrl.u32 s6, $0x4;
	v24 =	vshll.u32 v10, $0x7;
	v20 =	vbroadcast v20, $0x0;
	v27 =	vpop (erf)  }
0xf0: {  	s6 =	sadd.s32 $0x3B, s4;
	v28 =	vmov s5;
	v24 =	vor.u32 v5, v24;
	v31 =	vpop (erf);
	vm2 =	vgt.f32 v27, v17  }
0xf1: {  	v32 =	vmov s6;
	vm3 =	veq.f32 v27, v17;
	v20 =	vor.u32 v20, v24  }
0xf2: {  	s5 =	sand.u32 $0xF0, s12;
	v24 =	vand.u32 $0x7F, v32;
	v32 =	vmov s1;
	vm0 =	vmand vm0, vm3;
	v33 =	vpop (erf)  }
0xf3: {  	v34 =	vmov s5;
	v24 =	vbroadcast v24, $0x0;
	v33 =	vadd.f32 $1.000000000e+00, v33  }
0xf4: {  	v28 =	vand.u32 $0x7F, v28;
	v35 =	vshll.u32 v34, $0x7;
	vm0 =	vmor vm2, vm0  }
0xf5: {  	v36 =	vmov s24;
	v35 =	vor.u32 v5, v35;
	v37 =	vpop (erf);
	(erf) = vrcp.f32 v26  }
0xf6: {  	v31 =	vadd.f32 $1.000000000e+00, v31;
	v24 =	vor.u32 v24, v35;
	v26 =	vld.idx.msk [tilespmem:v20+s3+$0x0], $0xffff;
	v20 =	vand.u32 $0x7F, v36  }
0xf7: {  	v35 =	vshll.u32 v22, $0x7;
	v20 =	vbroadcast v20, $0x0;
	(erf) = vrcp.f32 v33  }
0xf8: {  	v33 =	vmul.u32 $0x5, v34;
	v34 =	vor.u32 v5, v35;
	(erf) = vrcp.f32 v31  }
0xf9: {  	v28 =	vbroadcast v28, $0x0;
	v31 =	vor.u32 v20, v34;
	v20 =	vmul.u32 $0x5, v22  }
0xfa: {  	v17 =	vsel vm0, v27, v17;
	v22 =	vadd.s32 s4, v33;
	v33 =	vshll.u32 v32, $0x7  }
0xfb: {  	v22 =	vbroadcast v22, $0x0;
	v27 =	vld.idx.msk [tilespmem:v24+s3+$0x0], $0xffff;
	v20 =	vadd.s32 s13, v20;
	v24 =	vadd.s32 s29, v30;
	s29 =	smov.u32 s2  }
0xfc: {  	v18 =	vsel vm0, v9, v18;
	v9 =	vmovc v29;
	v33 =	vor.u32 v5, v33;
	v26 =	vsub.f32 $0.0e+00, v26  }
0xfd: {  	v15 =	vsel vm1, v13, v15;
	vm0 =	vlt.s32 v9, v18;
	v28 =	vor.u32 v28, v33  }
0xfe: {  	v19 =	vsel vm1, v14, v19;
	vm1 =	vlt.s32 v12, v11;
	v32 =	vmul.u32 $0x5, v32;
	v29 =	vld.idx.msk [tilespmem:v31+s3+$0x0], $0xffff;
	v30 =	vpop (erf)  }
0xff: {  	v14 =	vbroadcast v24, $0x0;
	vm2 =	vgt.f32 v30, v16;
	vm3 =	veq.f32 v30, v16  }
0x100: {  	v31 =	vadd.s32 s0, v32;
	(erf) = vpow2.f32 v25;
	v24 =	vpop (erf);
	vm1 =	vmand vm1, vm3  }
0x101: {  	v14 =	vadd.s32 v6, v14;
	v25 =	vsub.f32 $0.0e+00, v27;
	v13 =	vpop (erf);
	vm3 =	vmor vm2, vm1  }
0x102: {  	v32 =	vadd.f32 $1.000000000e+00, v37;
	vm2 =	vlt.s32 v14, v19;
	v16 =	vsel vm3, v30, v16  }
0x103: {  	v30 =	vmul.f32 $1.442695020e+00, v26;
	vm1 =	vgt.f32 v13, v15;
	vm4 =	veq.f32 v13, v15;
	v28 =	vld.idx.msk [tilespmem:v28+s3+$0x0], $0xffff  }
.Ltmp1:
0x104: {  	v27 =	vmul.f32 $1.442695020e+00, v25;
	v25 =	vsub.f32 $0.0e+00, v29;
	vm2 =	vmand vm2, vm4;
	(pc) =	sbr.rel @p0 .LBB2_4-.Ltmp1, $4  }
0x105: {  	v26 =	vadd.s32 v6, v23;
	v11 =	vsel vm3, v12, v11;
	(erf) = vrcp.f32 v32  }
0x106: {  	vm3 =	veq.f32 v24, v8;
	v12 =	vmul.f32 $1.442695020e+00, v25;
	(erf) = vpow2.f32 v30  }
0x107: {  	vm4 =	vlt.s32 v26, v7;
	v25 =	vbroadcast v31, $0x0  }
0x108: {  	s31 =	sadd.s32 $0x10, s31;
	vm3 =	vmand vm4, vm3;
	(erf) = vpow2.f32 v12;
	v12 =	vadd.s32 v6, v21  }
0x109: {  	_ =	sdelay $0x4  }
0x10a: {  	v21 =	vpop (erf)  }
0x10b: {  	v23 =	vpop (erf)  }
0x10c: {  	v29 =	vpop (erf)  }
0x10d: {  	v21 =	vadd.f32 $1.000000000e+00, v21;
	v30 =	vpop (erf)  }
0x10e: {  	v53 =	vsub.f32 $0.0e+00, v28;
	(erf) = vpow2.f32 v27;
	v54 =	vadd.f32 $1.000000000e+00, v30  }
0x10f: {  	v55 =	vadd.f32 $1.000000000e+00, v29;
	(erf) = vrcp.f32 v21  }
0x110: {  	v27 =	vmul.f32 $1.442695020e+00, v53;
	(erf) = vrcp.f32 v54  }
0x111: {  	(erf) = vrcp.f32 v55  }
0x112: {  	(erf) = vpow2.f32 v27;
	_ =	sdelay $0x4  }
0x113: {  	v56 =	vpop (erf)  }
0x114: {  	v21 =	vadd.f32 $1.000000000e+00, v56;
	v57 =	vpop (erf)  }
0x115: {  	vm4 =	vgt.f32 v24, v8;
	v22 =	vadd.s32 v6, v22;
	v28 =	vpop (erf)  }
0x116: {  	v10 =	vmul.u32 $0x5, v10;
	vm1 =	vmor vm1, vm2;
	(erf) = vrcp.f32 v21;
	v58 =	vpop (erf)  }
0x117: {  	v20 =	vbroadcast v20, $0x0;
	vm2 =	vlt.s32 v12, v11;
	vm3 =	vmor vm4, vm3;
	v59 =	vpop (erf)  }
0x118: {  	v14 =	vsel vm1, v14, v19;
	v8 =	vsel vm3, v24, v8;
	v24 =	vadd.f32 $1.000000000e+00, v59  }
0x119: {  	v13 =	vsel vm1, v13, v15;
	v7 =	vsel vm3, v26, v7;
	v10 =	vadd.s32 s29, v10  }
0x11a: {  	v10 =	vbroadcast v10, $0x0;
	vm3 =	veq.f32 v23, v17;
	(erf) = vrcp.f32 v24  }
0x11b: {  	v62 =	vadd.s32 v6, v20;
	vm0 =	vmand vm0, vm3;
	vm3 =	vgt.f32 v23, v17  }
0x11c: {  	v10 =	vadd.s32 v6, v10;
	vm0 =	vmor vm3, vm0;
	vm3 =	veq.f32 v57, v16  }
0x11d: {  	v9 =	vsel vm0, v9, v18;
	vm12 =	vgt.f32 v57, v16;
	vm2 =	vmand vm2, vm3  }
0x11e: {  	v60 =	vsel vm0, v23, v17;
	vm0 =	vlt.s32 v22, v9;
	vm1 =	vmor vm12, vm2  }
0x11f: {  	vm2 =	vlt.s32 v10, v14;
	v15 =	vsel vm1, v57, v16;
	v11 =	vsel vm1, v12, v11;
	v61 =	vpop (erf)  }
0x120: {  	vm15 =	veq.f32 v28, v8;
	v12 =	vadd.s32 v6, v25;
	vm14 =	veq.f32 v61, v60  }
0x121: {  	vm13 =	veq.f32 v58, v13;
	vm1 =	vgt.f32 v61, v60;
	vm0 =	vmand vm0, vm14  }
0x122: {  	vm3 =	vgt.f32 v58, v13;
	vm2 =	vmand vm2, vm13;
	vm0 =	vmor vm1, vm0  }
0x123: {  	vm1 =	vmor vm3, vm2;
	v16 =	vsel vm0, v61, v60;
	v9 =	vsel vm0, v22, v9;
	v63 =	vpop (erf)  }
0x124: {  	v13 =	vsel vm1, v58, v13;
	vm0 =	vlt.s32 v12, v11;
	vm2 =	veq.f32 v63, v15  }
0x125: {  	v10 =	vsel vm1, v10, v14;
	vm1 =	vgt.f32 v63, v15;
	vm0 =	vmand vm0, vm2  }
0x126: {  	vm2 =	vlt.s32 v10, v9;
	vm0 =	vmor vm1, vm0;
	vm1 =	veq.f32 v13, v16  }
0x127: {  	vm3 =	vlt.s32 v62, v7;
	vm1 =	vmand vm1, vm2;
	vm2 =	vgt.f32 v13, v16  }
0x128: {  	vm3 =	vmand vm3, vm15;
	v14 =	vsel vm0, v63, v15;
	vm1 =	vmor vm2, vm1  }
0x129: {  	v11 =	vsel vm0, v12, v11;
	v12 =	vsel vm1, v13, v16;
	v9 =	vsel vm1, v10, v9  }
0x12a: {  	vm0 =	vgt.f32 v28, v8;
	vm1 =	veq.f32 v14, v12;
	vm2 =	vlt.s32 v11, v9  }
0x12b: {  	vm0 =	vmor vm0, vm3;
	vm3 =	vgt.f32 v14, v12;
	vm1 =	vmand vm1, vm2  }
0x12c: {  	v8 =	vsel vm0, v28, v8;
	vm1 =	vmor vm3, vm1  }
0x12d: {  	v7 =	vsel vm0, v62, v7;
	v10 =	vsel vm1, v14, v12;
	v9 =	vsel vm1, v11, v9  }
0x12e: {  	vm0 =	veq.f32 v8, v10;
	vm1 =	vlt.s32 v7, v9  }
0x12f: {  	vm2 =	vgt.f32 v8, v10;
	vm0 =	vmand vm0, vm1  }
0x130: {  	vm0 =	vmor vm2, vm0  }
0x131: {  	v8 =	vsel vm0, v8, v10  }
0x132: {  	v7 =	vsel vm0, v7, v9;
	[tilespmem:$0x1A200] =	vst v8  }
0x133: {  	[tilespmem:$0x1A280] =	vst v7  }
0x134: {  	v9 =	vld.idx.msk [tilespmem:v1+s15+$0x0], $0xffff  }
0x135: {  	v10 =	vld.idx.msk [tilespmem:v1+s16+$0x0], $0xffff;
	_ =	sdelay $0x4  }
0x136: {  	vm0 =	veq.f32 v9, v8;
	vm1 =	vlt.s32 v10, v7  }
0x137: {  	vm2 =	vgt.f32 v9, v8;
	vm0 =	vmand vm0, vm1  }
0x138: {  	vm0 =	vmor vm2, vm0  }
0x139: {  	v8 =	vsel vm0, v9, v8  }
0x13a: {  	v7 =	vsel vm0, v10, v7;
	[tilespmem:$0x1A200] =	vst v8  }
0x13b: {  	[tilespmem:$0x1A280] =	vst v7  }
0x13c: {  	v9 =	vld.idx.msk [tilespmem:v2+s15+$0x0], $0xffff  }
0x13d: {  	v10 =	vld.idx.msk [tilespmem:v2+s16+$0x0], $0xffff;
	_ =	sdelay $0x4  }
0x13e: {  	vm0 =	veq.f32 v9, v8;
	vm1 =	vlt.s32 v10, v7  }
0x13f: {  	vm2 =	vgt.f32 v9, v8;
	vm0 =	vmand vm0, vm1  }
0x140: {  	vm0 =	vmor vm2, vm0  }
0x141: {  	v8 =	vsel vm0, v9, v8  }
0x142: {  	v7 =	vsel vm0, v10, v7;
	[tilespmem:$0x1A200] =	vst v8  }
0x143: {  	[tilespmem:$0x1A280] =	vst v7  }
0x144: {  	v9 =	vld.idx.msk [tilespmem:v3+s15+$0x0], $0xffff  }
0x145: {  	v10 =	vld.idx.msk [tilespmem:v3+s16+$0x0], $0xffff;
	_ =	sdelay $0x4  }
0x146: {  	vm0 =	veq.f32 v9, v8;
	vm1 =	vlt.s32 v10, v7  }
0x147: {  	vm2 =	vgt.f32 v9, v8;
	vm0 =	vmand vm0, vm1  }
0x148: {  	vm0 =	vmor vm2, vm0  }
0x149: {  	v8 =	vsel vm0, v9, v8  }
0x14a: {  	v7 =	vsel vm0, v10, v7;
	[tilespmem:$0x1A200] =	vst v8  }
0x14b: {  	[tilespmem:$0x1A280] =	vst v7  }
0x14c: {  	v9 =	vld.idx.msk [tilespmem:v4+s15+$0x0], $0xffff  }
0x14d: {  	v10 =	vld.idx.msk [tilespmem:v4+s16+$0x0], $0xffff;
	_ =	sdelay $0x4  }
0x14e: {  	vm0 =	veq.f32 v9, v8;
	vm1 =	vlt.s32 v10, v7  }
0x14f: {  	vm2 =	vgt.f32 v9, v8;
	vm0 =	vmand vm0, vm1  }
0x150: {  	vm0 =	vmor vm2, vm0  }
0x151: {  	v7 =	vsel vm0, v10, v7  }
0x152: {  	(v2sf) =	vpush v7, $0x0;
	_ =	sdelay $0xe  }
0x153: {  	s0 =	spop (v2sf)  }
0x154: {  	s1 =	smulhi.u32 $0x66666667, s0;
	s2 =	sshra.s32 s0, $0x1F  }
0x155: {  	s2 =	smul.u32 $0x66666667, s2;
	_ =	sdelay $0x1  }
0x156: {  	s1 =	sadd.s32 s2, s1  }
0x157: {  	s2 =	sshrl.u32 s1, $0x1F;
	s1 =	sshra.s32 s1, $0x1  }
0x158: {  	s1 =	sadd.s32 s2, s1  }
0x159: {  	s2 =	smul.u32 $0xFFFFFFFB, s1;
	_ =	sdelay $0x1  }
0x15a: {  	s30 =	sadd.s32 s0, s2  }
0x15b: {  	p1 =	slt.s32 s0, $0x1;
	p0 =	sne.s32 s30, $0x0  }
0x15c: {  	p0 =	por !p1, !p0  }
0x15d: {  	s0 =	simm.s32 $0x1;
	p0 =	por !p0, !p0  }
0x15e: {  	s0 =	simm.s32 @!p0 $0x0  }
0x15f: {  	s29 =	ssub.s32 s1, s0  }
0x160: {  	s6 =	simm.s32 $0x0;
	s0 =	sshra.s32 s29, $0x1F  }
0x161: {  	s2 =	simm.s32 $0x45;
	p0 =	slt.s32 s28, $0x0;
	s0 =	sshrl.u32 s0, $0x1D  }
0x162: {  	v7 =	vmov s6;
	s2 =	simm.s32 @!p0 $0x40;
	s0 =	sadd.s32 s0, s29  }
0x163: {  	v8 =	vmul.u32 $0x5, v7;
	s2 =	sadd.s32 s28, s2;
	s4 =	sand.u32 $0xFFFFFFF8, s0  }
0x164: {  	p5 =	slt.s32 s29, $0x1;
	v7 =	vmov s2;
	p6 =	sne.s32 s29, s4  }
0x165: {  	s13 =	simm.s32 $0x10;
	s24 =	rddreg [dreg:$0x6];
	v8 =	vadd.s32 v7, v8;
	p0 =	por !p5, !p6  }
0x166: {  	s2 =	simm.s32 $0x1;
	s0 =	sshrl.u32 s0, $0x3;
	v8 =	vbroadcast v8, $0x0;
	p0 =	por !p0, !p0  }
0x167: {  	v9 =	vmov s13;
	s0 =	sadd.s32 s24, s0;
	s2 =	simm.s32 @!p0 $0x0  }
0x168: {  	v9 =	vmul.u32 $0x5, v9;
	v8 =	vadd.s32 v6, v8;
	s0 =	ssub.s32 s0, s2  }
0x169: {  	s26 =	sand.u32 $0x7, s26;
	vm0 =	vlt.s32 v8, $0x990;
	s0 =	smul.u32 $0x5800, s0  }
0x16a: {  	v9 =	vadd.s32 v7, v9;
	v10 =	vnsel vm0, $0x990, v8;
	s2 =	sshll.u32 s26, $0x7  }
0x16b: {  	v11 =	vand.u32 $0x7F, v10;
	v10 =	vshll.u32 v10, $0x3;
	v8 =	vmov s2;
	s0 =	sadd.s32 $0x800, s0  }
0x16c: {  	v9 =	vbroadcast v9, $0x0;
	v10 =	vand.u32 $0xFFFFFC00, v10;
	v11 =	vor.u32 v8, v11;
	s0 =	sshrl.u32 s0, $0x3  }
0x16d: {  	s28 =	simm.s32 $0x20;
	v10 =	vor.u32 v10, v11;
	s0 =	sadd.s32 s7, s0  }
0x16e: {  	v12 =	vmov s28;
	v9 =	vadd.s32 v6, v9;
	[tilespmem:s19], [sflag:$0x4] =	stream.linear.gather [hbm4b:s0+s6], $0x5000, $0x38;
	[tilespmem:$0x1A300] =	vst v63  }
0x16f: {  	v12 =	vmul.u32 $0x5, v12;
	vm0 =	vlt.s32 v9, $0x990;
	_ =	swait.ge [sflag:s20], $0x5000  }
0x170: {  	v9 =	vnsel vm0, $0x990, v9;
	[sflag:s20] =	ssyncset.done $0x0  }
0x171: {  	v11 =	vadd.s32 v7, v12;
	v12 =	vand.u32 $0x7F, v9;
	v9 =	vshll.u32 v9, $0x3;
	[sflag:s20] =	ssyncadd.s32 $0xFFFFB000  }
0x172: {  	v13 =	vand.u32 $0xFFFFFC00, v9;
	v12 =	vor.u32 v8, v12;
	v9 =	vld.idx.msk [tilespmem:v10+s17+$0x0], $0xffff  }
0x173: {  	v11 =	vbroadcast v11, $0x0;
	v10 =	vor.u32 v13, v12;
	_ =	sdelay $0x1  }
0x174: {  	s31 =	simm.s32 $0x30;
	v11 =	vadd.s32 v6, v11  }
0x175: {  	s12 =	smov.u32 s7;
	s2 =	simm.s32 $0x40;
	s0 =	simm.s32 $0x1A000;
	vm0 =	vlt.s32 v11, $0x990;
	v12 =	vmov s31  }
.LBB2_6:
0x176: {  	p0 =	sne.s32 s2, $0x1D0;
	v12 =	vmul.u32 $0x5, v12;
	v11 =	vnsel vm0, $0x990, v11;
	[tilespmem:s0+$0x0] =	vst v9  }
0x177: {  	v13 =	vand.u32 $0x7F, v11;
	v11 =	vshll.u32 v11, $0x3;
	v9 =	vld.idx.msk [tilespmem:v10+s17+$0x0], $0xffff  }
.Ltmp2:
0x178: {  	v10 =	vadd.s32 v7, v12;
	v11 =	vand.u32 $0xFFFFFC00, v11;
	v12 =	vor.u32 v8, v13;
	(pc) =	sbr.rel @p0 .LBB2_6-.Ltmp2, $3  }
0x179: {  	v13 =	vbroadcast v10, $0x0;
	v10 =	vor.u32 v11, v12;
	_ =	sdelay $0x1  }
0x17a: {  	v11 =	vadd.s32 v6, v13  }
0x17b: {  	s0 =	sadd.s32 $0x10, s0;
	v12 =	vmov s2;
	s2 =	sadd.s32 $0x10, s2;
	vm0 =	vlt.s32 v11, $0x990  }
0x17c: {  	_ = 	snop  }
0x17d: {  	v12 =	vmul.u32 $0x5, v12  }
0x17e: {  	v11 =	vnsel vm0, $0x990, v11  }
0x17f: {  	[tilespmem:s0+$0x0] =	vst v9;
	v9 =	vand.u32 $0x7F, v11;
	v11 =	vshll.u32 v11, $0x3;
	v7 =	vadd.s32 v7, v12  }
0x180: {  	v10 =	vld.idx.msk [tilespmem:v10+s17+$0x0], $0xffff;
	v11 =	vand.u32 $0xFFFFFC00, v11;
	v9 =	vor.u32 v8, v9;
	v7 =	vbroadcast v7, $0x0  }
0x181: {  	v9 =	vor.u32 v11, v9  }
0x182: {  	v7 =	vadd.s32 v6, v7  }
0x183: {  	vm0 =	vlt.s32 v7, $0x990  }
0x184: {  	s26 =	sadd.s32 $0x10, s0;
	v7 =	vnsel vm0, $0x990, v7  }
0x185: {  	[tilespmem:s26+$0x0] =	vst v10;
	v10 =	vand.u32 $0x7F, v7;
	v7 =	vshll.u32 v7, $0x3  }
0x186: {  	v9 =	vld.idx.msk [tilespmem:v9+s17+$0x0], $0xffff;
	v7 =	vand.u32 $0xFFFFFC00, v7;
	v8 =	vor.u32 v8, v10  }
0x187: {  	v8 =	vor.u32 v7, v8  }
0x188: {  	p0 =	slt.s32 s30, $0x0;
	s1 =	simm.s32 $0x45;
	s2 =	simm.s32 $0x0  }
0x189: {  	s1 =	simm.s32 @!p0 $0x40;
	v7 =	vmov s2  }
0x18a: {  	s0 =	sadd.s32 $0x10, s26;
	s1 =	sadd.s32 s30, s1;
	v10 =	vmul.u32 $0x5, v7  }
0x18b: {  	v7 =	vmov s1;
	[tilespmem:s0+$0x0] =	vst v9  }
0x18c: {  	v9 =	vadd.s32 v7, v10;
	v8 =	vld.idx.msk [tilespmem:v8+s17+$0x0], $0xffff  }
0x18d: {  	s28 =	simm.s32 $0x10;
	v9 =	vbroadcast v9, $0x0  }
0x18e: {  	v10 =	vmov s28  }
0x18f: {  	v10 =	vmul.u32 $0x5, v10;
	v9 =	vadd.s32 v6, v9  }
0x190: {  	s29 =	sand.u32 $0x7, s29;
	s0 =	sadd.s32 $0x10, s0;
	vm0 =	vlt.s32 v9, $0x990  }
0x191: {  	s1 =	sshll.u32 s29, $0x7;
	v10 =	vadd.s32 v7, v10;
	v9 =	vnsel vm0, $0x990, v9;
	[tilespmem:s0+$0x0] =	vst v8;
	s0 =	simm.s32 $0x1A000  }
0x192: {  	v11 =	vand.u32 $0x7F, v9;
	v9 =	vshll.u32 v9, $0x3;
	v8 =	vmov s1;
	[hbm4b:s8+s21] =	stream.strided.scatter [tilespmem:s0], [sflag:$0x5], $0x200, s11, s21, $0x38;
	[tilespmem:$0x1A300] =	vst v63  }
0x193: {  	v10 =	vbroadcast v10, $0x0;
	v9 =	vand.u32 $0xFFFFFC00, v9;
	v11 =	vor.u32 v8, v11;
	_ =	swait.ge [sflag:s22], $0x200  }
0x194: {  	s30 =	simm.s32 $0x20;
	v9 =	vor.u32 v9, v11;
	[sflag:s22] =	ssyncset.done $0x0  }
0x195: {  	v12 =	vmov s30;
	v10 =	vadd.s32 v6, v10;
	[sflag:s22] =	ssyncadd.s32 $0xFFFFFE00  }
0x196: {  	v12 =	vmul.u32 $0x5, v12;
	vm0 =	vlt.s32 v10, $0x990;
	_ =	swait.ge [sflag:s23], $0x5000  }
0x197: {  	v10 =	vnsel vm0, $0x990, v10;
	[sflag:s23] =	ssyncset.done $0x0  }
0x198: {  	v11 =	vadd.s32 v7, v12;
	v12 =	vand.u32 $0x7F, v10;
	v10 =	vshll.u32 v10, $0x3;
	[sflag:s23] =	ssyncadd.s32 $0xFFFFB000  }
0x199: {  	v10 =	vand.u32 $0xFFFFFC00, v10;
	v12 =	vor.u32 v8, v12;
	v9 =	vld.idx.msk [tilespmem:v9+s19+$0x0], $0xffff  }
0x19a: {  	v11 =	vbroadcast v11, $0x0;
	v10 =	vor.u32 v10, v12;
	_ =	sdelay $0x1  }
0x19b: {  	s31 =	simm.s32 $0x30;
	v11 =	vadd.s32 v6, v11  }
0x19c: {  	s2 =	simm.s32 $0x40;
	v12 =	vmov s31;
	vm0 =	vlt.s32 v11, $0x990  }
.LBB2_8:
0x19d: {  	p0 =	sne.s32 s2, $0x1D0;
	v12 =	vmul.u32 $0x5, v12;
	v11 =	vnsel vm0, $0x990, v11;
	[tilespmem:s0+$0x0] =	vst v9  }
0x19e: {  	v13 =	vand.u32 $0x7F, v11;
	v11 =	vshll.u32 v11, $0x3;
	v9 =	vld.idx.msk [tilespmem:v10+s19+$0x0], $0xffff  }
.Ltmp3:
0x19f: {  	v10 =	vadd.s32 v7, v12;
	v11 =	vand.u32 $0xFFFFFC00, v11;
	v12 =	vor.u32 v8, v13;
	(pc) =	sbr.rel @p0 .LBB2_8-.Ltmp3, $3  }
0x1a0: {  	v13 =	vbroadcast v10, $0x0;
	v10 =	vor.u32 v11, v12;
	_ =	sdelay $0x1  }
0x1a1: {  	v11 =	vadd.s32 v6, v13  }
0x1a2: {  	s0 =	sadd.s32 $0x10, s0;
	v12 =	vmov s2;
	s2 =	sadd.s32 $0x10, s2;
	vm0 =	vlt.s32 v11, $0x990  }
0x1a3: {  	_ = 	snop  }
0x1a4: {  	v12 =	vmul.u32 $0x5, v12  }
0x1a5: {  	v11 =	vnsel vm0, $0x990, v11  }
0x1a6: {  	[tilespmem:s0+$0x0] =	vst v9;
	v62 =	vand.u32 $0x7F, v11;
	v11 =	vshll.u32 v11, $0x3;
	v7 =	vadd.s32 v7, v12  }
0x1a7: {  	v10 =	vld.idx.msk [tilespmem:v10+s19+$0x0], $0xffff;
	v11 =	vand.u32 $0xFFFFFC00, v11;
	v9 =	vor.u32 v8, v62;
	v7 =	vbroadcast v7, $0x0  }
0x1a8: {  	v9 =	vor.u32 v11, v9  }
0x1a9: {  	v7 =	vadd.s32 v6, v7  }
0x1aa: {  	vm15 =	vlt.s32 v7, $0x990  }
0x1ab: {  	s30 =	sadd.s32 $0x10, s0;
	v7 =	vnsel vm15, $0x990, v7  }
0x1ac: {  	[tilespmem:s30+$0x0] =	vst v10;
	v63 =	vand.u32 $0x7F, v7;
	v7 =	vshll.u32 v7, $0x3  }
0x1ad: {  	v9 =	vld.idx.msk [tilespmem:v9+s19+$0x0], $0xffff;
	v7 =	vand.u32 $0xFFFFFC00, v7;
	v8 =	vor.u32 v8, v63  }
0x1ae: {  	v7 =	vor.u32 v7, v8;
	_ =	sdelay $0x2  }
0x1af: {  	s0 =	sadd.s32 $0x10, s30  }
0x1b0: {  	[tilespmem:s0+$0x0] =	vst v9  }
0x1b1: {  	v7 =	vld.idx.msk [tilespmem:v7+s19+$0x0], $0xffff;
	_ =	sdelay $0x2  }
0x1b2: {  	s25 =	sadd.s32 $0x1, s25  }
0x1b3: {  	p0 =	sne.s32 s25, s10;
	s0 =	sadd.s32 $0x10, s0  }
.Ltmp4:
0x1b4: {  	s31 =	simm.s32 $0x1A000;
	[tilespmem:s0+$0x0] =	vst v7;
	(pc) =	sbr.rel @p0 .LBB2_1-.Ltmp4, $4  }
0x1b5: {  	[hbm4b:s9+s21] =	stream.strided.scatter [tilespmem:s31], [sflag:$0x5], $0x200, s11, s21, $0x38;
	[tilespmem:$0x1A300] =	vst v63  }
0x1b6: {  	_ =	swait.ge [sflag:s22], $0x200  }
0x1b7: {  	[sflag:s22] =	ssyncset.done $0x0  }
0x1b8: {  	[sflag:s22] =	ssyncadd.s32 $0xFFFFFE00  }
0x1b9: {  	_ =	sfence.sel $0x180000  }
0x1ba: {  	[bflag:$0x0] =	sbarrier.arrive $0xFFFF  }
0x1bb: {  	_ =	strace $0x90000047  }
0x1bc: {  	s0 =	stileid.u32;
	[bflag:$0x2] =	sbarrier.arrive $0xFFFF  }
0x1bd: {  	p0 =	sne.s32 s0, $0x0;
	s0 =	rddreg [dreg:$0x2]  }
0x1be: {  	s0 =	sadd.s32 @!p0 $0x100000, s0  }
0x1bf: {  	[sflag:s0] =	ssyncadd.tile.s32 @!p0 $0x1;
	_ =	shalt  }
.Lfunc_end2:
_tile_overlayer_lowered:
.L_overlay_start_2:
0x1c0: {  	(tag) =	ssettag $0x2  }
0x1c1: {  	s0 =	rddreg [dreg:$0x0];
	s2 =	stileid.u32  }
0x1c2: {  	s1 =	rddreg [dreg:$0x1];
	p0 =	sne.s32 s2, $0x0  }
0x1c3: {  	s3 =	rddreg [dreg:$0x2];
	[bflag:$0x3] =	sbarrier.arrive $0xFFFF;
	s2 =	simm.s32 @!p0 $0x1C05  }
0x1c4: {  	[timem:s3], [sflag:s2] =	dma.local @!p0 [hbm:s0], s1  }
0x1c5: {  	s0 =	simm.s32 @!p0 $0x5  }
0x1c6: {  	_ =	swait.ge @!p0 [sflag:s0], s1  }
0x1c7: {  	s1 =	ssub.s32 @!p0 $0x0, s1;
	[sflag:s0] =	ssyncset.done @!p0 $0x0  }
0x1c8: {  	[sflag:s0] =	ssyncadd.s32 @!p0 s1  }
0x1c9: {  	[bflag:$0x3] =	sbarrier.arrive $0xFFFF  }
0x1ca: {  	_ =	shalt  }

</sc_bundles>
